<compile_context>
chip_gen: v7x
topology: tpu7x:2x2x1
jax: 0.10.2.dev20260603
libtpu: 0.0.44.dev20260713+nightly
codegen_flags: <defaults>
</compile_context>

<pallas_src>
import jax
import jax.numpy as jnp
from jax import lax
from jax.experimental import pallas as pl
from jax.experimental.pallas import tpu as pltpu
from jax.experimental.pallas import tpu_sc as plsc

_B, _H, _W, _C = 4, 384, 384, 96
_N = _B * _H * _W
_NC, _NS, _L = 2, 16, 16
_NW = _NC * _NS
_ROWS_W = _H * _B // _NW
_CHUNK = 64
_CPR = _W // _CHUNK
_G = _CHUNK // _L


def _warp_body(img_hbm, fx_hbm, fy_hbm, out_hbm, fx_v, fy_v, wx_v, wy_v,
               i00, i01, i10, i11, r00, r01, r10, r11, out_v, sem):
    wid = lax.axis_index("s") * _NC + lax.axis_index("c")
    b = wid // 8
    h0 = wid * _ROWS_W - b * _H
    boff = b * (_H * _W)
    pix_g = [lax.iota(jnp.int32, _L) + g * _L for g in range(_G)]

    def row_body(r, carry):
        h = h0 + r
        rowbase = boff + h * _W

        def chunk_body(u, carry2):
            base = rowbase + u * _CHUNK
            pltpu.sync_copy(fx_hbm.at[pl.ds(base, _CHUNK)], fx_v)
            pltpu.sync_copy(fy_hbm.at[pl.ds(base, _CHUNK)], fy_v)
            hf = jnp.full((_L,), h, jnp.int32).astype(jnp.float32)
            for g in range(_G):
                sl = pl.ds(g * _L, _L)
                wcol = pix_g[g] + u * _CHUNK
                qx = jnp.clip(wcol.astype(jnp.float32) + fx_v[sl],
                              0.0, float(_W - 1))
                qy = jnp.clip(hf + fy_v[sl], 0.0, float(_H - 1))
                x0 = jnp.minimum(qx.astype(jnp.int32), _W - 2)
                y0 = jnp.minimum(qy.astype(jnp.int32), _H - 2)
                ax = jnp.minimum(qx - x0.astype(jnp.float32), 1.0)
                ay = jnp.minimum(qy - y0.astype(jnp.float32), 1.0)
                l00 = boff + y0 * _W + x0
                i00[sl] = l00
                i01[sl] = l00 + 1
                i10[sl] = l00 + _W
                i11[sl] = l00 + _W + 1
                wx_v[sl] = ax
                wy_v[sl] = ay
            copies = [pltpu.async_copy(img_hbm.at[iv], rv, sem)
                      for iv, rv in ((i00, r00), (i01, r01),
                                     (i10, r10), (i11, r11))]
            for cp in copies:
                cp.wait()
            def pbody(p, p_carry):
                pp = jnp.full((_L,), p, jnp.int32)
                wxp = plsc.load_gather(wx_v, [pp])
                wyp = plsc.load_gather(wy_v, [pp])
                for j in range(_C // _L):
                    cs = pl.ds(j * _L, _L)
                    v00 = r00[p, cs]
                    v01 = r01[p, cs]
                    v10 = r10[p, cs]
                    v11 = r11[p, cs]
                    top = v00 + wxp * (v01 - v00)
                    bot = v10 + wxp * (v11 - v10)
                    out_v[p, cs] = top + wyp * (bot - top)
                return p_carry

            lax.fori_loop(0, _CHUNK, pbody, 0, unroll=2)
            pltpu.sync_copy(out_v, out_hbm.at[pl.ds(base, _CHUNK)])
            return carry2

        lax.fori_loop(0, _CPR, chunk_body, 0)
        return carry

    lax.fori_loop(0, _ROWS_W, row_body, 0)


@jax.jit
def kernel(img, flo):
    imgf = img.reshape(_N, _C)
    flof = flo.reshape(_N, 2)
    fx = flof[:, 0]
    fy = flof[:, 1]
    mesh = plsc.VectorSubcoreMesh(core_axis_name="c", subcore_axis_name="s")
    out = pl.kernel(
        _warp_body,
        out_type=jax.ShapeDtypeStruct((_N, _C), jnp.float32),
        mesh=mesh,
        compiler_params=pltpu.CompilerParams(use_tc_tiling_on_sc=False,
                                             needs_layout_passes=False),
        scratch_types=[
            pltpu.VMEM((_CHUNK,), jnp.float32),
            pltpu.VMEM((_CHUNK,), jnp.float32),
            pltpu.VMEM((_CHUNK,), jnp.float32),
            pltpu.VMEM((_CHUNK,), jnp.float32),
            pltpu.VMEM((_CHUNK,), jnp.int32),
            pltpu.VMEM((_CHUNK,), jnp.int32),
            pltpu.VMEM((_CHUNK,), jnp.int32),
            pltpu.VMEM((_CHUNK,), jnp.int32),
            pltpu.VMEM((_CHUNK, _C), jnp.float32),
            pltpu.VMEM((_CHUNK, _C), jnp.float32),
            pltpu.VMEM((_CHUNK, _C), jnp.float32),
            pltpu.VMEM((_CHUNK, _C), jnp.float32),
            pltpu.VMEM((_CHUNK, _C), jnp.float32),
            pltpu.SemaphoreType.DMA,
        ],
    )(imgf, fx, fy)
    return out.reshape(_B, _H, _W, _C)

# --- scband reference (transcript-rebuilt; emitter-appended) ---
"""Pipeline reference for scband-warp-v2-58153857188505 (READ-ONLY COPY).

The authoritative reference and input builder live on the scoring server;
editing this copy changes nothing except your own understanding.
"""

import jax, jax.numpy as jnp
import numpy as np


def _interpolate_bilinear(grid, query_points):
    # Faithful port of tfa.image.interpolate_bilinear with indexing='ij'.
    # grid: [B, H, W, C]; query_points: [B, N, 2] (y, x) float coordinates.
    B, H, W, C = grid.shape
    alphas = []
    floors = []
    ceils = []
    for dim, size in zip([0, 1], [H, W]):
        q = query_points[..., dim]
        max_floor = float(size - 2)
        floor_f = jnp.clip(jnp.floor(q), 0.0, max_floor)
        int_floor = floor_f.astype(jnp.int32)
        floors.append(int_floor)
        ceils.append(int_floor + 1)
        alpha = jnp.clip(q - floor_f, 0.0, 1.0)
        alphas.append(alpha[..., None])  # [B, N, 1]
    flat = grid.reshape(B, H * W, C)

    def gather(y_idx, x_idx):
        lin = y_idx * W + x_idx  # [B, N]
        return jnp.take_along_axis(flat, lin[..., None], axis=1)  # [B, N, C]

    top_left = gather(floors[0], floors[1])
    top_right = gather(floors[0], ceils[1])
    bottom_left = gather(ceils[0], floors[1])
    bottom_right = gather(ceils[0], ceils[1])

    interp_top = alphas[1] * (top_right - top_left) + top_left
    interp_bottom = alphas[1] * (bottom_right - bottom_left) + bottom_left
    interp = alphas[0] * (interp_bottom - interp_top) + interp_top
    return interp


def dense_image_warp(image, flow):
    # Faithful port of tfa.image.dense_image_warp:
    # output[b, h, w, c] = bilinear(image)[b, h - flow[b,h,w,0], w - flow[b,h,w,1], c]
    B, H, W, C = image.shape
    gy, gx = jnp.meshgrid(jnp.arange(H), jnp.arange(W), indexing='ij')
    stacked_grid = jnp.stack([gy, gx], axis=-1).astype(flow.dtype)  # [H, W, 2]
    query_points = stacked_grid[None] - flow  # [B, H, W, 2]
    query_flat = query_points.reshape(B, H * W, 2)
    interp = _interpolate_bilinear(image, query_flat)
    return interp.reshape(B, H, W, C)


def setup_inputs(seed: int = 0) -> dict:
    key = jax.random.key(seed)
    k1, k2 = jax.random.split(key)
    img = jax.random.normal(k1, (4, 384, 384, 96), dtype=jnp.float32)
    flo = jax.random.normal(k2, (4, 384, 384, 2), dtype=jnp.float32)
    return {"img": img, "flo": flo}


def reference(img, flo):
    # WarpV2.call: tfa.image.dense_image_warp(img, -flo[..., ::-1])
    # i.e., flo stores (dx, dy); dense_image_warp expects (dy, dx) negated.
    return dense_image_warp(img, -flo[..., ::-1])

if __name__ == "__main__":
    import jax
    _d = setup_inputs()
    print(jax.jit(kernel)(*tuple(_d.values())))

</pallas_src>

<mosaic_0001>
#map = affine_map<(d0, d1) -> (0, 0)>
#map1 = affine_map<(d0, d1) -> (0)>
module attributes {stable_mosaic.version = 14 : i64} {
  func.func @_warp_body(%arg0: i32, %arg1: i32, %arg2: memref<589824x96xf32, #tpu.memory_space<hbm>>, %arg3: memref<589824xf32, #tpu.memory_space<hbm>>, %arg4: memref<589824xf32, #tpu.memory_space<hbm>>, %arg5: memref<589824x96xf32, #tpu.memory_space<hbm>>, %arg6: memref<64xf32, #tpu.memory_space<vmem>>, %arg7: memref<64xf32, #tpu.memory_space<vmem>>, %arg8: memref<64xf32, #tpu.memory_space<vmem>>, %arg9: memref<64xf32, #tpu.memory_space<vmem>>, %arg10: memref<64xi32, #tpu.memory_space<vmem>>, %arg11: memref<64xi32, #tpu.memory_space<vmem>>, %arg12: memref<64xi32, #tpu.memory_space<vmem>>, %arg13: memref<64xi32, #tpu.memory_space<vmem>>, %arg14: memref<64x96xf32, #tpu.memory_space<vmem>>, %arg15: memref<64x96xf32, #tpu.memory_space<vmem>>, %arg16: memref<64x96xf32, #tpu.memory_space<vmem>>, %arg17: memref<64x96xf32, #tpu.memory_space<vmem>>, %arg18: memref<64x96xf32, #tpu.memory_space<vmem>>, %arg19: memref<!tpu.dma_semaphore, #tpu.memory_space<semaphore_mem>>) attributes {dimension_semantics = [#tpu.dimension_semantics<core_parallel>, #tpu.dimension_semantics<subcore_parallel>], iteration_bounds = array<i64: 2, 16>, scalar_prefetch = 0 : i64, scratch_operands = 14 : i64, tpu.core_type = #tpu.core_type<sc_vector_subcore>, window_params = [{transform_indices = #map}, {transform_indices = #map1}, {transform_indices = #map1}, {transform_indices = #map}]} {
    %mul3A = arith.constant 2 : i32
    %mul3A_0 = arith.muli %arg1, %mul3A : i32
    %add3A = arith.addi %mul3A_0, %arg0 : i32
    %jit3A = arith.constant 8 : i32
    %div3A = arith.divsi %add3A, %jit3A : i32
    %sign3A = arith.constant 0 : i32
    %sign3A_1 = arith.cmpi sgt, %add3A, %sign3A : i32
    %sign3A_2 = arith.extui %sign3A_1 : i1 to i32
    %sign3A_3 = arith.constant 0 : i32
    %sign3A_4 = arith.cmpi slt, %add3A, %sign3A_3 : i32
    %sign3A_5 = arith.extui %sign3A_4 : i1 to i32
    %sign3A_6 = arith.subi %sign3A_2, %sign3A_5 : i32
    %sign3A_7 = arith.constant 0 : i32
    %sign3A_8 = arith.cmpi sgt, %jit3A, %sign3A_7 : i32
    %sign3A_9 = arith.extui %sign3A_8 : i1 to i32
    %sign3A_10 = arith.constant 0 : i32
    %sign3A_11 = arith.cmpi slt, %jit3A, %sign3A_10 : i32
    %sign3A_12 = arith.extui %sign3A_11 : i1 to i32
    %sign3A_13 = arith.subi %sign3A_9, %sign3A_12 : i32
    %ne3A = arith.cmpi ne, %sign3A_6, %sign3A_13 : i32
    %rem3A = arith.remsi %add3A, %jit3A : i32
    %ne3A_14 = arith.constant 0 : i32
    %ne3A_15 = arith.cmpi ne, %rem3A, %ne3A_14 : i32
    %and3A = arith.andi %ne3A, %ne3A_15 : i1
    %sub3A = arith.constant 1 : i32
    %sub3A_16 = arith.subi %div3A, %sub3A : i32
    %select_n3A = arith.select %and3A, %sub3A_16, %div3A : i32
    %mul3A_17 = arith.constant 48 : i32
    %mul3A_18 = arith.muli %add3A, %mul3A_17 : i32
    %mul3A_19 = arith.constant 384 : i32
    %mul3A_20 = arith.muli %select_n3A, %mul3A_19 : i32
    %sub3A_21 = arith.subi %mul3A_18, %mul3A_20 : i32
    %mul3A_22 = arith.constant 147456 : i32
    %mul3A_23 = arith.muli %select_n3A, %mul3A_22 : i32
    %iota3A = tpu.iota {dimensions = array<i32: 0>} : vector<16xi32>
    %add3A_24 = arith.constant 0 : i32
    %add3A_25 = vector.broadcast %add3A_24 : i32 to vector<16xi32>
    %add3A_26 = arith.addi %iota3A, %add3A_25 : vector<16xi32>
    %iota3A_27 = tpu.iota {dimensions = array<i32: 0>} : vector<16xi32>
    %add3A_28 = arith.constant 16 : i32
    %add3A_29 = vector.broadcast %add3A_28 : i32 to vector<16xi32>
    %add3A_30 = arith.addi %iota3A_27, %add3A_29 : vector<16xi32>
    %iota3A_31 = tpu.iota {dimensions = array<i32: 0>} : vector<16xi32>
    %add3A_32 = arith.constant 32 : i32
    %add3A_33 = vector.broadcast %add3A_32 : i32 to vector<16xi32>
    %add3A_34 = arith.addi %iota3A_31, %add3A_33 : vector<16xi32>
    %iota3A_35 = tpu.iota {dimensions = array<i32: 0>} : vector<16xi32>
    %add3A_36 = arith.constant 48 : i32
    %add3A_37 = vector.broadcast %add3A_36 : i32 to vector<16xi32>
    %add3A_38 = arith.addi %iota3A_35, %add3A_37 : vector<16xi32>
    %scan3A = arith.constant 0 : i32
    %scan3A_39 = arith.constant 0 : i32
    %scan3A_40 = arith.constant 48 : i32
    %scan3A_41 = arith.addi %scan3A_39, %scan3A_40 : i32
    %scan3A_42 = arith.constant 1 : i32
    scf.for %scan3A_44 = %scan3A_39 to %scan3A_41 step %scan3A_42  : i32 {
      %add3A_45 = arith.addi %sub3A_21, %scan3A_44 : i32
      %mul3A_46 = arith.constant 384 : i32
      %mul3A_47 = arith.muli %add3A_45, %mul3A_46 : i32
      %add3A_48 = arith.addi %mul3A_23, %mul3A_47 : i32
      %scan3A_49 = arith.constant 0 : i32
      %scan3A_50 = arith.constant 0 : i32
      %scan3A_51 = arith.constant 6 : i32
      %scan3A_52 = arith.addi %scan3A_50, %scan3A_51 : i32
      %scan3A_53 = arith.constant 1 : i32
      scf.for %scan3A_55 = %scan3A_50 to %scan3A_52 step %scan3A_53  : i32 {
        %mul3A_56 = arith.constant 64 : i32
        %mul3A_57 = arith.muli %scan3A_55, %mul3A_56 : i32
        %add3A_58 = arith.addi %add3A_48, %mul3A_57 : i32
        "tpu.region"() ({
          %run_scoped3A = tpu.sem_alloc : memref<!tpu.dma_semaphore, #tpu.memory_space<semaphore_mem>>
          %dma_start3A_367 = tpu.memref_slice %arg3[%add3A_58] : memref<589824xf32, #tpu.memory_space<hbm>> -> memref<64xf32, #tpu.memory_space<hbm>>
          %dma_start3A_368 = tpu.memref_slice %arg3[%add3A_58] : memref<589824xf32, #tpu.memory_space<hbm>> -> memref<64xf32, #tpu.memory_space<hbm>>
          tpu.enqueue_dma source(%dma_start3A_368 : memref<64xf32, #tpu.memory_space<hbm>>) target(%arg6 : memref<64xf32, #tpu.memory_space<vmem>>) target_semaphore(%run_scoped3A : memref<!tpu.dma_semaphore, #tpu.memory_space<semaphore_mem>>)
          %dma_wait3A_369 = tpu.memref_slice %arg3[%add3A_58] : memref<589824xf32, #tpu.memory_space<hbm>> -> memref<64xf32, #tpu.memory_space<hbm>>
          %dma_wait3A_370 = tpu.memref_slice %arg3[%add3A_58] : memref<589824xf32, #tpu.memory_space<hbm>> -> memref<64xf32, #tpu.memory_space<hbm>>
          tpu.wait_dma2 semaphore(%run_scoped3A : memref<!tpu.dma_semaphore, #tpu.memory_space<semaphore_mem>>) src(%dma_wait3A_370 : memref<64xf32, #tpu.memory_space<hbm>>) dst(%arg6 : memref<64xf32, #tpu.memory_space<vmem>>)
          tpu.yield
        }) : () -> ()
        "tpu.region"() ({
          %run_scoped3A = tpu.sem_alloc : memref<!tpu.dma_semaphore, #tpu.memory_space<semaphore_mem>>
          %dma_start3A_367 = tpu.memref_slice %arg4[%add3A_58] : memref<589824xf32, #tpu.memory_space<hbm>> -> memref<64xf32, #tpu.memory_space<hbm>>
          %dma_start3A_368 = tpu.memref_slice %arg4[%add3A_58] : memref<589824xf32, #tpu.memory_space<hbm>> -> memref<64xf32, #tpu.memory_space<hbm>>
          tpu.enqueue_dma source(%dma_start3A_368 : memref<64xf32, #tpu.memory_space<hbm>>) target(%arg7 : memref<64xf32, #tpu.memory_space<vmem>>) target_semaphore(%run_scoped3A : memref<!tpu.dma_semaphore, #tpu.memory_space<semaphore_mem>>)
          %dma_wait3A_369 = tpu.memref_slice %arg4[%add3A_58] : memref<589824xf32, #tpu.memory_space<hbm>> -> memref<64xf32, #tpu.memory_space<hbm>>
          %dma_wait3A_370 = tpu.memref_slice %arg4[%add3A_58] : memref<589824xf32, #tpu.memory_space<hbm>> -> memref<64xf32, #tpu.memory_space<hbm>>
          tpu.wait_dma2 semaphore(%run_scoped3A : memref<!tpu.dma_semaphore, #tpu.memory_space<semaphore_mem>>) src(%dma_wait3A_370 : memref<64xf32, #tpu.memory_space<hbm>>) dst(%arg7 : memref<64xf32, #tpu.memory_space<vmem>>)
          tpu.yield
        }) : () -> ()
        %broadcast_in_dim3A = vector.broadcast %add3A_45 : i32 to vector<16xi32>
        %convert_element_type3A = arith.sitofp %broadcast_in_dim3A : vector<16xi32> to vector<16xf32>
        %mul3A_59 = arith.constant 64 : i32
        %mul3A_60 = arith.muli %scan3A_55, %mul3A_59 : i32
        %add3A_61 = vector.broadcast %mul3A_60 : i32 to vector<16xi32>
        %add3A_62 = arith.addi %add3A_26, %add3A_61 : vector<16xi32>
        %convert_element_type3A_63 = arith.sitofp %add3A_62 : vector<16xi32> to vector<16xf32>
        %get3A = arith.constant 0 : index
        %get3A_64 = tpu.vector_load %arg6[%get3A] {strides = array<i32>} : memref<64xf32, #tpu.memory_space<vmem>>, vector<16xf32>,
        %add3A_65 = arith.addf %convert_element_type3A_63, %get3A_64 : vector<16xf32>
        %jit3A_66 = arith.constant 0.000000e+00 : f32
        %jit3A_67 = arith.constant 3.830000e+02 : f32
        %max3A = vector.broadcast %jit3A_66 : f32 to vector<16xf32>
        %max3A_68 = arith.maximumf %max3A, %add3A_65 : vector<16xf32>
        %min3A = vector.broadcast %jit3A_67 : f32 to vector<16xf32>
        %min3A_69 = arith.minimumf %min3A, %max3A_68 : vector<16xf32>
        %get3A_70 = arith.constant 0 : index
        %get3A_71 = tpu.vector_load %arg7[%get3A_70] {strides = array<i32>} : memref<64xf32, #tpu.memory_space<vmem>>, vector<16xf32>,
        %add3A_72 = arith.addf %convert_element_type3A, %get3A_71 : vector<16xf32>
        %jit3A_73 = arith.constant 0.000000e+00 : f32
        %jit3A_74 = arith.constant 3.830000e+02 : f32
        %max3A_75 = vector.broadcast %jit3A_73 : f32 to vector<16xf32>
        %max3A_76 = arith.maximumf %max3A_75, %add3A_72 : vector<16xf32>
        %min3A_77 = vector.broadcast %jit3A_74 : f32 to vector<16xf32>
        %min3A_78 = arith.minimumf %min3A_77, %max3A_76 : vector<16xf32>
        %convert_element_type3A_79 = arith.fptosi %min3A_69 : vector<16xf32> to vector<16xi32>
        %min3A_80 = arith.constant 382 : i32
        %min3A_81 = vector.broadcast %min3A_80 : i32 to vector<16xi32>
        %min3A_82 = arith.minsi %convert_element_type3A_79, %min3A_81 : vector<16xi32>
        %convert_element_type3A_83 = arith.fptosi %min3A_78 : vector<16xf32> to vector<16xi32>
        %min3A_84 = arith.constant 382 : i32
        %min3A_85 = vector.broadcast %min3A_84 : i32 to vector<16xi32>
        %min3A_86 = arith.minsi %convert_element_type3A_83, %min3A_85 : vector<16xi32>
        %convert_element_type3A_87 = arith.sitofp %min3A_82 : vector<16xi32> to vector<16xf32>
        %sub3A_88 = arith.subf %min3A_69, %convert_element_type3A_87 : vector<16xf32>
        %min3A_89 = arith.constant 1.000000e+00 : f32
        %min3A_90 = vector.broadcast %min3A_89 : f32 to vector<16xf32>
        %min3A_91 = arith.minimumf %sub3A_88, %min3A_90 : vector<16xf32>
        %convert_element_type3A_92 = arith.sitofp %min3A_86 : vector<16xi32> to vector<16xf32>
        %sub3A_93 = arith.subf %min3A_78, %convert_element_type3A_92 : vector<16xf32>
        %min3A_94 = arith.constant 1.000000e+00 : f32
        %min3A_95 = vector.broadcast %min3A_94 : f32 to vector<16xf32>
        %min3A_96 = arith.minimumf %sub3A_93, %min3A_95 : vector<16xf32>
        %mul3A_97 = arith.constant 384 : i32
        %mul3A_98 = vector.broadcast %mul3A_97 : i32 to vector<16xi32>
        %mul3A_99 = arith.muli %min3A_86, %mul3A_98 : vector<16xi32>
        %add3A_100 = vector.broadcast %mul3A_23 : i32 to vector<16xi32>
        %add3A_101 = arith.addi %add3A_100, %mul3A_99 : vector<16xi32>
        %add3A_102 = arith.addi %add3A_101, %min3A_82 : vector<16xi32>
        %swap3A = arith.constant 0 : index
        %swap3A_103 = tpu.vector_load %arg10[%swap3A] {strides = array<i32>} : memref<64xi32, #tpu.memory_space<vmem>>, vector<16xi32>,
        tpu.vector_store %arg10[%swap3A], %add3A_102 {strides = array<i32>} : memref<64xi32, #tpu.memory_space<vmem>>, vector<16xi32>,
        %add3A_104 = arith.constant 1 : i32
        %add3A_105 = vector.broadcast %add3A_104 : i32 to vector<16xi32>
        %add3A_106 = arith.addi %add3A_102, %add3A_105 : vector<16xi32>
        %swap3A_107 = arith.constant 0 : index
        %swap3A_108 = tpu.vector_load %arg11[%swap3A_107] {strides = array<i32>} : memref<64xi32, #tpu.memory_space<vmem>>, vector<16xi32>,
        tpu.vector_store %arg11[%swap3A_107], %add3A_106 {strides = array<i32>} : memref<64xi32, #tpu.memory_space<vmem>>, vector<16xi32>,
        %add3A_109 = arith.constant 384 : i32
        %add3A_110 = vector.broadcast %add3A_109 : i32 to vector<16xi32>
        %add3A_111 = arith.addi %add3A_102, %add3A_110 : vector<16xi32>
        %swap3A_112 = arith.constant 0 : index
        %swap3A_113 = tpu.vector_load %arg12[%swap3A_112] {strides = array<i32>} : memref<64xi32, #tpu.memory_space<vmem>>, vector<16xi32>,
        tpu.vector_store %arg12[%swap3A_112], %add3A_111 {strides = array<i32>} : memref<64xi32, #tpu.memory_space<vmem>>, vector<16xi32>,
        %add3A_114 = arith.constant 384 : i32
        %add3A_115 = vector.broadcast %add3A_114 : i32 to vector<16xi32>
        %add3A_116 = arith.addi %add3A_102, %add3A_115 : vector<16xi32>
        %add3A_117 = arith.constant 1 : i32
        %add3A_118 = vector.broadcast %add3A_117 : i32 to vector<16xi32>
        %add3A_119 = arith.addi %add3A_116, %add3A_118 : vector<16xi32>
        %swap3A_120 = arith.constant 0 : index
        %swap3A_121 = tpu.vector_load %arg13[%swap3A_120] {strides = array<i32>} : memref<64xi32, #tpu.memory_space<vmem>>, vector<16xi32>,
        tpu.vector_store %arg13[%swap3A_120], %add3A_119 {strides = array<i32>} : memref<64xi32, #tpu.memory_space<vmem>>, vector<16xi32>,
        %swap3A_122 = arith.constant 0 : index
        %swap3A_123 = tpu.vector_load %arg8[%swap3A_122] {strides = array<i32>} : memref<64xf32, #tpu.memory_space<vmem>>, vector<16xf32>,
        tpu.vector_store %arg8[%swap3A_122], %min3A_91 {strides = array<i32>} : memref<64xf32, #tpu.memory_space<vmem>>, vector<16xf32>,
        %swap3A_124 = arith.constant 0 : index
        %swap3A_125 = tpu.vector_load %arg9[%swap3A_124] {strides = array<i32>} : memref<64xf32, #tpu.memory_space<vmem>>, vector<16xf32>,
        tpu.vector_store %arg9[%swap3A_124], %min3A_96 {strides = array<i32>} : memref<64xf32, #tpu.memory_space<vmem>>, vector<16xf32>,
        %mul3A_126 = arith.constant 64 : i32
        %mul3A_127 = arith.muli %scan3A_55, %mul3A_126 : i32
        %add3A_128 = vector.broadcast %mul3A_127 : i32 to vector<16xi32>
        %add3A_129 = arith.addi %add3A_30, %add3A_128 : vector<16xi32>
        %convert_element_type3A_130 = arith.sitofp %add3A_129 : vector<16xi32> to vector<16xf32>
        %get3A_131 = arith.constant 16 : index
        %get3A_132 = tpu.vector_load %arg6[%get3A_131] {strides = array<i32>} : memref<64xf32, #tpu.memory_space<vmem>>, vector<16xf32>,
        %add3A_133 = arith.addf %convert_element_type3A_130, %get3A_132 : vector<16xf32>
        %jit3A_134 = arith.constant 0.000000e+00 : f32
        %jit3A_135 = arith.constant 3.830000e+02 : f32
        %max3A_136 = vector.broadcast %jit3A_134 : f32 to vector<16xf32>
        %max3A_137 = arith.maximumf %max3A_136, %add3A_133 : vector<16xf32>
        %min3A_138 = vector.broadcast %jit3A_135 : f32 to vector<16xf32>
        %min3A_139 = arith.minimumf %min3A_138, %max3A_137 : vector<16xf32>
        %get3A_140 = arith.constant 16 : index
        %get3A_141 = tpu.vector_load %arg7[%get3A_140] {strides = array<i32>} : memref<64xf32, #tpu.memory_space<vmem>>, vector<16xf32>,
        %add3A_142 = arith.addf %convert_element_type3A, %get3A_141 : vector<16xf32>
        %jit3A_143 = arith.constant 0.000000e+00 : f32
        %jit3A_144 = arith.constant 3.830000e+02 : f32
        %max3A_145 = vector.broadcast %jit3A_143 : f32 to vector<16xf32>
        %max3A_146 = arith.maximumf %max3A_145, %add3A_142 : vector<16xf32>
        %min3A_147 = vector.broadcast %jit3A_144 : f32 to vector<16xf32>
        %min3A_148 = arith.minimumf %min3A_147, %max3A_146 : vector<16xf32>
        %convert_element_type3A_149 = arith.fptosi %min3A_139 : vector<16xf32> to vector<16xi32>
        %min3A_150 = arith.constant 382 : i32
        %min3A_151 = vector.broadcast %min3A_150 : i32 to vector<16xi32>
        %min3A_152 = arith.minsi %convert_element_type3A_149, %min3A_151 : vector<16xi32>
        %convert_element_type3A_153 = arith.fptosi %min3A_148 : vector<16xf32> to vector<16xi32>
        %min3A_154 = arith.constant 382 : i32
        %min3A_155 = vector.broadcast %min3A_154 : i32 to vector<16xi32>
        %min3A_156 = arith.minsi %convert_element_type3A_153, %min3A_155 : vector<16xi32>
        %convert_element_type3A_157 = arith.sitofp %min3A_152 : vector<16xi32> to vector<16xf32>
        %sub3A_158 = arith.subf %min3A_139, %convert_element_type3A_157 : vector<16xf32>
        %min3A_159 = arith.constant 1.000000e+00 : f32
        %min3A_160 = vector.broadcast %min3A_159 : f32 to vector<16xf32>
        %min3A_161 = arith.minimumf %sub3A_158, %min3A_160 : vector<16xf32>
        %convert_element_type3A_162 = arith.sitofp %min3A_156 : vector<16xi32> to vector<16xf32>
        %sub3A_163 = arith.subf %min3A_148, %convert_element_type3A_162 : vector<16xf32>
        %min3A_164 = arith.constant 1.000000e+00 : f32
        %min3A_165 = vector.broadcast %min3A_164 : f32 to vector<16xf32>
        %min3A_166 = arith.minimumf %sub3A_163, %min3A_165 : vector<16xf32>
        %mul3A_167 = arith.constant 384 : i32
        %mul3A_168 = vector.broadcast %mul3A_167 : i32 to vector<16xi32>
        %mul3A_169 = arith.muli %min3A_156, %mul3A_168 : vector<16xi32>
        %add3A_170 = vector.broadcast %mul3A_23 : i32 to vector<16xi32>
        %add3A_171 = arith.addi %add3A_170, %mul3A_169 : vector<16xi32>
        %add3A_172 = arith.addi %add3A_171, %min3A_152 : vector<16xi32>
        %swap3A_173 = arith.constant 16 : index
        %swap3A_174 = tpu.vector_load %arg10[%swap3A_173] {strides = array<i32>} : memref<64xi32, #tpu.memory_space<vmem>>, vector<16xi32>,
        tpu.vector_store %arg10[%swap3A_173], %add3A_172 {strides = array<i32>} : memref<64xi32, #tpu.memory_space<vmem>>, vector<16xi32>,
        %add3A_175 = arith.constant 1 : i32
        %add3A_176 = vector.broadcast %add3A_175 : i32 to vector<16xi32>
        %add3A_177 = arith.addi %add3A_172, %add3A_176 : vector<16xi32>
        %swap3A_178 = arith.constant 16 : index
        %swap3A_179 = tpu.vector_load %arg11[%swap3A_178] {strides = array<i32>} : memref<64xi32, #tpu.memory_space<vmem>>, vector<16xi32>,
        tpu.vector_store %arg11[%swap3A_178], %add3A_177 {strides = array<i32>} : memref<64xi32, #tpu.memory_space<vmem>>, vector<16xi32>,
        %add3A_180 = arith.constant 384 : i32
        %add3A_181 = vector.broadcast %add3A_180 : i32 to vector<16xi32>
        %add3A_182 = arith.addi %add3A_172, %add3A_181 : vector<16xi32>
        %swap3A_183 = arith.constant 16 : index
        %swap3A_184 = tpu.vector_load %arg12[%swap3A_183] {strides = array<i32>} : memref<64xi32, #tpu.memory_space<vmem>>, vector<16xi32>,
        tpu.vector_store %arg12[%swap3A_183], %add3A_182 {strides = array<i32>} : memref<64xi32, #tpu.memory_space<vmem>>, vector<16xi32>,
        %add3A_185 = arith.constant 384 : i32
        %add3A_186 = vector.broadcast %add3A_185 : i32 to vector<16xi32>
        %add3A_187 = arith.addi %add3A_172, %add3A_186 : vector<16xi32>
        %add3A_188 = arith.constant 1 : i32
        %add3A_189 = vector.broadcast %add3A_188 : i32 to vector<16xi32>
        %add3A_190 = arith.addi %add3A_187, %add3A_189 : vector<16xi32>
        %swap3A_191 = arith.constant 16 : index
        %swap3A_192 = tpu.vector_load %arg13[%swap3A_191] {strides = array<i32>} : memref<64xi32, #tpu.memory_space<vmem>>, vector<16xi32>,
        tpu.vector_store %arg13[%swap3A_191], %add3A_190 {strides = array<i32>} : memref<64xi32, #tpu.memory_space<vmem>>, vector<16xi32>,
        %swap3A_193 = arith.constant 16 : index
        %swap3A_194 = tpu.vector_load %arg8[%swap3A_193] {strides = array<i32>} : memref<64xf32, #tpu.memory_space<vmem>>, vector<16xf32>,
        tpu.vector_store %arg8[%swap3A_193], %min3A_161 {strides = array<i32>} : memref<64xf32, #tpu.memory_space<vmem>>, vector<16xf32>,
        %swap3A_195 = arith.constant 16 : index
        %swap3A_196 = tpu.vector_load %arg9[%swap3A_195] {strides = array<i32>} : memref<64xf32, #tpu.memory_space<vmem>>, vector<16xf32>,
        tpu.vector_store %arg9[%swap3A_195], %min3A_166 {strides = array<i32>} : memref<64xf32, #tpu.memory_space<vmem>>, vector<16xf32>,
        %mul3A_197 = arith.constant 64 : i32
        %mul3A_198 = arith.muli %scan3A_55, %mul3A_197 : i32
        %add3A_199 = vector.broadcast %mul3A_198 : i32 to vector<16xi32>
        %add3A_200 = arith.addi %add3A_34, %add3A_199 : vector<16xi32>
        %convert_element_type3A_201 = arith.sitofp %add3A_200 : vector<16xi32> to vector<16xf32>
        %get3A_202 = arith.constant 32 : index
        %get3A_203 = tpu.vector_load %arg6[%get3A_202] {strides = array<i32>} : memref<64xf32, #tpu.memory_space<vmem>>, vector<16xf32>,
        %add3A_204 = arith.addf %convert_element_type3A_201, %get3A_203 : vector<16xf32>
        %jit3A_205 = arith.constant 0.000000e+00 : f32
        %jit3A_206 = arith.constant 3.830000e+02 : f32
        %max3A_207 = vector.broadcast %jit3A_205 : f32 to vector<16xf32>
        %max3A_208 = arith.maximumf %max3A_207, %add3A_204 : vector<16xf32>
        %min3A_209 = vector.broadcast %jit3A_206 : f32 to vector<16xf32>
        %min3A_210 = arith.minimumf %min3A_209, %max3A_208 : vector<16xf32>
        %get3A_211 = arith.constant 32 : index
        %get3A_212 = tpu.vector_load %arg7[%get3A_211] {strides = array<i32>} : memref<64xf32, #tpu.memory_space<vmem>>, vector<16xf32>,
        %add3A_213 = arith.addf %convert_element_type3A, %get3A_212 : vector<16xf32>
        %jit3A_214 = arith.constant 0.000000e+00 : f32
        %jit3A_215 = arith.constant 3.830000e+02 : f32
        %max3A_216 = vector.broadcast %jit3A_214 : f32 to vector<16xf32>
        %max3A_217 = arith.maximumf %max3A_216, %add3A_213 : vector<16xf32>
        %min3A_218 = vector.broadcast %jit3A_215 : f32 to vector<16xf32>
        %min3A_219 = arith.minimumf %min3A_218, %max3A_217 : vector<16xf32>
        %convert_element_type3A_220 = arith.fptosi %min3A_210 : vector<16xf32> to vector<16xi32>
        %min3A_221 = arith.constant 382 : i32
        %min3A_222 = vector.broadcast %min3A_221 : i32 to vector<16xi32>
        %min3A_223 = arith.minsi %convert_element_type3A_220, %min3A_222 : vector<16xi32>
        %convert_element_type3A_224 = arith.fptosi %min3A_219 : vector<16xf32> to vector<16xi32>
        %min3A_225 = arith.constant 382 : i32
        %min3A_226 = vector.broadcast %min3A_225 : i32 to vector<16xi32>
        %min3A_227 = arith.minsi %convert_element_type3A_224, %min3A_226 : vector<16xi32>
        %convert_element_type3A_228 = arith.sitofp %min3A_223 : vector<16xi32> to vector<16xf32>
        %sub3A_229 = arith.subf %min3A_210, %convert_element_type3A_228 : vector<16xf32>
        %min3A_230 = arith.constant 1.000000e+00 : f32
        %min3A_231 = vector.broadcast %min3A_230 : f32 to vector<16xf32>
        %min3A_232 = arith.minimumf %sub3A_229, %min3A_231 : vector<16xf32>
        %convert_element_type3A_233 = arith.sitofp %min3A_227 : vector<16xi32> to vector<16xf32>
        %sub3A_234 = arith.subf %min3A_219, %convert_element_type3A_233 : vector<16xf32>
        %min3A_235 = arith.constant 1.000000e+00 : f32
        %min3A_236 = vector.broadcast %min3A_235 : f32 to vector<16xf32>
        %min3A_237 = arith.minimumf %sub3A_234, %min3A_236 : vector<16xf32>
        %mul3A_238 = arith.constant 384 : i32
        %mul3A_239 = vector.broadcast %mul3A_238 : i32 to vector<16xi32>
        %mul3A_240 = arith.muli %min3A_227, %mul3A_239 : vector<16xi32>
        %add3A_241 = vector.broadcast %mul3A_23 : i32 to vector<16xi32>
        %add3A_242 = arith.addi %add3A_241, %mul3A_240 : vector<16xi32>
        %add3A_243 = arith.addi %add3A_242, %min3A_223 : vector<16xi32>
        %swap3A_244 = arith.constant 32 : index
        %swap3A_245 = tpu.vector_load %arg10[%swap3A_244] {strides = array<i32>} : memref<64xi32, #tpu.memory_space<vmem>>, vector<16xi32>,
        tpu.vector_store %arg10[%swap3A_244], %add3A_243 {strides = array<i32>} : memref<64xi32, #tpu.memory_space<vmem>>, vector<16xi32>,
        %add3A_246 = arith.constant 1 : i32
        %add3A_247 = vector.broadcast %add3A_246 : i32 to vector<16xi32>
        %add3A_248 = arith.addi %add3A_243, %add3A_247 : vector<16xi32>
        %swap3A_249 = arith.constant 32 : index
        %swap3A_250 = tpu.vector_load %arg11[%swap3A_249] {strides = array<i32>} : memref<64xi32, #tpu.memory_space<vmem>>, vector<16xi32>,
        tpu.vector_store %arg11[%swap3A_249], %add3A_248 {strides = array<i32>} : memref<64xi32, #tpu.memory_space<vmem>>, vector<16xi32>,
        %add3A_251 = arith.constant 384 : i32
        %add3A_252 = vector.broadcast %add3A_251 : i32 to vector<16xi32>
        %add3A_253 = arith.addi %add3A_243, %add3A_252 : vector<16xi32>
        %swap3A_254 = arith.constant 32 : index
        %swap3A_255 = tpu.vector_load %arg12[%swap3A_254] {strides = array<i32>} : memref<64xi32, #tpu.memory_space<vmem>>, vector<16xi32>,
        tpu.vector_store %arg12[%swap3A_254], %add3A_253 {strides = array<i32>} : memref<64xi32, #tpu.memory_space<vmem>>, vector<16xi32>,
        %add3A_256 = arith.constant 384 : i32
        %add3A_257 = vector.broadcast %add3A_256 : i32 to vector<16xi32>
        %add3A_258 = arith.addi %add3A_243, %add3A_257 : vector<16xi32>
        %add3A_259 = arith.constant 1 : i32
        %add3A_260 = vector.broadcast %add3A_259 : i32 to vector<16xi32>
        %add3A_261 = arith.addi %add3A_258, %add3A_260 : vector<16xi32>
        %swap3A_262 = arith.constant 32 : index
        %swap3A_263 = tpu.vector_load %arg13[%swap3A_262] {strides = array<i32>} : memref<64xi32, #tpu.memory_space<vmem>>, vector<16xi32>,
        tpu.vector_store %arg13[%swap3A_262], %add3A_261 {strides = array<i32>} : memref<64xi32, #tpu.memory_space<vmem>>, vector<16xi32>,
        %swap3A_264 = arith.constant 32 : index
        %swap3A_265 = tpu.vector_load %arg8[%swap3A_264] {strides = array<i32>} : memref<64xf32, #tpu.memory_space<vmem>>, vector<16xf32>,
        tpu.vector_store %arg8[%swap3A_264], %min3A_232 {strides = array<i32>} : memref<64xf32, #tpu.memory_space<vmem>>, vector<16xf32>,
        %swap3A_266 = arith.constant 32 : index
        %swap3A_267 = tpu.vector_load %arg9[%swap3A_266] {strides = array<i32>} : memref<64xf32, #tpu.memory_space<vmem>>, vector<16xf32>,
        tpu.vector_store %arg9[%swap3A_266], %min3A_237 {strides = array<i32>} : memref<64xf32, #tpu.memory_space<vmem>>, vector<16xf32>,
        %mul3A_268 = arith.constant 64 : i32
        %mul3A_269 = arith.muli %scan3A_55, %mul3A_268 : i32
        %add3A_270 = vector.broadcast %mul3A_269 : i32 to vector<16xi32>
        %add3A_271 = arith.addi %add3A_38, %add3A_270 : vector<16xi32>
        %convert_element_type3A_272 = arith.sitofp %add3A_271 : vector<16xi32> to vector<16xf32>
        %get3A_273 = arith.constant 48 : index
        %get3A_274 = tpu.vector_load %arg6[%get3A_273] {strides = array<i32>} : memref<64xf32, #tpu.memory_space<vmem>>, vector<16xf32>,
        %add3A_275 = arith.addf %convert_element_type3A_272, %get3A_274 : vector<16xf32>
        %jit3A_276 = arith.constant 0.000000e+00 : f32
        %jit3A_277 = arith.constant 3.830000e+02 : f32
        %max3A_278 = vector.broadcast %jit3A_276 : f32 to vector<16xf32>
        %max3A_279 = arith.maximumf %max3A_278, %add3A_275 : vector<16xf32>
        %min3A_280 = vector.broadcast %jit3A_277 : f32 to vector<16xf32>
        %min3A_281 = arith.minimumf %min3A_280, %max3A_279 : vector<16xf32>
        %get3A_282 = arith.constant 48 : index
        %get3A_283 = tpu.vector_load %arg7[%get3A_282] {strides = array<i32>} : memref<64xf32, #tpu.memory_space<vmem>>, vector<16xf32>,
        %add3A_284 = arith.addf %convert_element_type3A, %get3A_283 : vector<16xf32>
        %jit3A_285 = arith.constant 0.000000e+00 : f32
        %jit3A_286 = arith.constant 3.830000e+02 : f32
        %max3A_287 = vector.broadcast %jit3A_285 : f32 to vector<16xf32>
        %max3A_288 = arith.maximumf %max3A_287, %add3A_284 : vector<16xf32>
        %min3A_289 = vector.broadcast %jit3A_286 : f32 to vector<16xf32>
        %min3A_290 = arith.minimumf %min3A_289, %max3A_288 : vector<16xf32>
        %convert_element_type3A_291 = arith.fptosi %min3A_281 : vector<16xf32> to vector<16xi32>
        %min3A_292 = arith.constant 382 : i32
        %min3A_293 = vector.broadcast %min3A_292 : i32 to vector<16xi32>
        %min3A_294 = arith.minsi %convert_element_type3A_291, %min3A_293 : vector<16xi32>
        %convert_element_type3A_295 = arith.fptosi %min3A_290 : vector<16xf32> to vector<16xi32>
        %min3A_296 = arith.constant 382 : i32
        %min3A_297 = vector.broadcast %min3A_296 : i32 to vector<16xi32>
        %min3A_298 = arith.minsi %convert_element_type3A_295, %min3A_297 : vector<16xi32>
        %convert_element_type3A_299 = arith.sitofp %min3A_294 : vector<16xi32> to vector<16xf32>
        %sub3A_300 = arith.subf %min3A_281, %convert_element_type3A_299 : vector<16xf32>
        %min3A_301 = arith.constant 1.000000e+00 : f32
        %min3A_302 = vector.broadcast %min3A_301 : f32 to vector<16xf32>
        %min3A_303 = arith.minimumf %sub3A_300, %min3A_302 : vector<16xf32>
        %convert_element_type3A_304 = arith.sitofp %min3A_298 : vector<16xi32> to vector<16xf32>
        %sub3A_305 = arith.subf %min3A_290, %convert_element_type3A_304 : vector<16xf32>
        %min3A_306 = arith.constant 1.000000e+00 : f32
        %min3A_307 = vector.broadcast %min3A_306 : f32 to vector<16xf32>
        %min3A_308 = arith.minimumf %sub3A_305, %min3A_307 : vector<16xf32>
        %mul3A_309 = arith.constant 384 : i32
        %mul3A_310 = vector.broadcast %mul3A_309 : i32 to vector<16xi32>
        %mul3A_311 = arith.muli %min3A_298, %mul3A_310 : vector<16xi32>
        %add3A_312 = vector.broadcast %mul3A_23 : i32 to vector<16xi32>
        %add3A_313 = arith.addi %add3A_312, %mul3A_311 : vector<16xi32>
        %add3A_314 = arith.addi %add3A_313, %min3A_294 : vector<16xi32>
        %swap3A_315 = arith.constant 48 : index
        %swap3A_316 = tpu.vector_load %arg10[%swap3A_315] {strides = array<i32>} : memref<64xi32, #tpu.memory_space<vmem>>, vector<16xi32>,
        tpu.vector_store %arg10[%swap3A_315], %add3A_314 {strides = array<i32>} : memref<64xi32, #tpu.memory_space<vmem>>, vector<16xi32>,
        %add3A_317 = arith.constant 1 : i32
        %add3A_318 = vector.broadcast %add3A_317 : i32 to vector<16xi32>
        %add3A_319 = arith.addi %add3A_314, %add3A_318 : vector<16xi32>
        %swap3A_320 = arith.constant 48 : index
        %swap3A_321 = tpu.vector_load %arg11[%swap3A_320] {strides = array<i32>} : memref<64xi32, #tpu.memory_space<vmem>>, vector<16xi32>,
        tpu.vector_store %arg11[%swap3A_320], %add3A_319 {strides = array<i32>} : memref<64xi32, #tpu.memory_space<vmem>>, vector<16xi32>,
        %add3A_322 = arith.constant 384 : i32
        %add3A_323 = vector.broadcast %add3A_322 : i32 to vector<16xi32>
        %add3A_324 = arith.addi %add3A_314, %add3A_323 : vector<16xi32>
        %swap3A_325 = arith.constant 48 : index
        %swap3A_326 = tpu.vector_load %arg12[%swap3A_325] {strides = array<i32>} : memref<64xi32, #tpu.memory_space<vmem>>, vector<16xi32>,
        tpu.vector_store %arg12[%swap3A_325], %add3A_324 {strides = array<i32>} : memref<64xi32, #tpu.memory_space<vmem>>, vector<16xi32>,
        %add3A_327 = arith.constant 384 : i32
        %add3A_328 = vector.broadcast %add3A_327 : i32 to vector<16xi32>
        %add3A_329 = arith.addi %add3A_314, %add3A_328 : vector<16xi32>
        %add3A_330 = arith.constant 1 : i32
        %add3A_331 = vector.broadcast %add3A_330 : i32 to vector<16xi32>
        %add3A_332 = arith.addi %add3A_329, %add3A_331 : vector<16xi32>
        %swap3A_333 = arith.constant 48 : index
        %swap3A_334 = tpu.vector_load %arg13[%swap3A_333] {strides = array<i32>} : memref<64xi32, #tpu.memory_space<vmem>>, vector<16xi32>,
        tpu.vector_store %arg13[%swap3A_333], %add3A_332 {strides = array<i32>} : memref<64xi32, #tpu.memory_space<vmem>>, vector<16xi32>,
        %swap3A_335 = arith.constant 48 : index
        %swap3A_336 = tpu.vector_load %arg8[%swap3A_335] {strides = array<i32>} : memref<64xf32, #tpu.memory_space<vmem>>, vector<16xf32>,
        tpu.vector_store %arg8[%swap3A_335], %min3A_303 {strides = array<i32>} : memref<64xf32, #tpu.memory_space<vmem>>, vector<16xf32>,
        %swap3A_337 = arith.constant 48 : index
        %swap3A_338 = tpu.vector_load %arg9[%swap3A_337] {strides = array<i32>} : memref<64xf32, #tpu.memory_space<vmem>>, vector<16xf32>,
        tpu.vector_store %arg9[%swap3A_337], %min3A_308 {strides = array<i32>} : memref<64xf32, #tpu.memory_space<vmem>>, vector<16xf32>,
        %dma_start3A = arith.constant 0 : i32
        %dma_start3A_339 = arith.constant 0 : i32
        %dma_start3A_340 = tpu.memref_slice %arg2[%dma_start3A, %dma_start3A_339] : memref<589824x96xf32, #tpu.memory_space<hbm>> -> memref<589824x96xf32, #tpu.memory_space<hbm>>
        tpu.enqueue_indirect_dma source(%dma_start3A_340 : memref<589824x96xf32, #tpu.memory_space<hbm>>) target(%arg14 : memref<64x96xf32, #tpu.memory_space<vmem>>) offsets(%arg10 : memref<64xi32, #tpu.memory_space<vmem>>) semaphore(%arg19 : memref<!tpu.dma_semaphore, #tpu.memory_space<semaphore_mem>>)
        %dma_start3A_341 = arith.constant 0 : i32
        %dma_start3A_342 = arith.constant 0 : i32
        %dma_start3A_343 = tpu.memref_slice %arg2[%dma_start3A_341, %dma_start3A_342] : memref<589824x96xf32, #tpu.memory_space<hbm>> -> memref<589824x96xf32, #tpu.memory_space<hbm>>
        tpu.enqueue_indirect_dma source(%dma_start3A_343 : memref<589824x96xf32, #tpu.memory_space<hbm>>) target(%arg15 : memref<64x96xf32, #tpu.memory_space<vmem>>) offsets(%arg11 : memref<64xi32, #tpu.memory_space<vmem>>) semaphore(%arg19 : memref<!tpu.dma_semaphore, #tpu.memory_space<semaphore_mem>>)
        %dma_start3A_344 = arith.constant 0 : i32
        %dma_start3A_345 = arith.constant 0 : i32
        %dma_start3A_346 = tpu.memref_slice %arg2[%dma_start3A_344, %dma_start3A_345] : memref<589824x96xf32, #tpu.memory_space<hbm>> -> memref<589824x96xf32, #tpu.memory_space<hbm>>
        tpu.enqueue_indirect_dma source(%dma_start3A_346 : memref<589824x96xf32, #tpu.memory_space<hbm>>) target(%arg16 : memref<64x96xf32, #tpu.memory_space<vmem>>) offsets(%arg12 : memref<64xi32, #tpu.memory_space<vmem>>) semaphore(%arg19 : memref<!tpu.dma_semaphore, #tpu.memory_space<semaphore_mem>>)
        %dma_start3A_347 = arith.constant 0 : i32
        %dma_start3A_348 = arith.constant 0 : i32
        %dma_start3A_349 = tpu.memref_slice %arg2[%dma_start3A_347, %dma_start3A_348] : memref<589824x96xf32, #tpu.memory_space<hbm>> -> memref<589824x96xf32, #tpu.memory_space<hbm>>
        tpu.enqueue_indirect_dma source(%dma_start3A_349 : memref<589824x96xf32, #tpu.memory_space<hbm>>) target(%arg17 : memref<64x96xf32, #tpu.memory_space<vmem>>) offsets(%arg13 : memref<64xi32, #tpu.memory_space<vmem>>) semaphore(%arg19 : memref<!tpu.dma_semaphore, #tpu.memory_space<semaphore_mem>>)
        %dma_wait3A = arith.constant 0 : i32
        %dma_wait3A_350 = arith.constant 0 : i32
        %dma_wait3A_351 = tpu.memref_slice %arg2[%dma_wait3A, %dma_wait3A_350] : memref<589824x96xf32, #tpu.memory_space<hbm>> -> memref<589824x96xf32, #tpu.memory_space<hbm>>
        tpu.wait_indirect_dma semaphore(%arg19 : memref<!tpu.dma_semaphore, #tpu.memory_space<semaphore_mem>>) src(%dma_wait3A_351 : memref<589824x96xf32, #tpu.memory_space<hbm>>) dst(%arg14 : memref<64x96xf32, #tpu.memory_space<vmem>>)
        %dma_wait3A_352 = arith.constant 0 : i32
        %dma_wait3A_353 = arith.constant 0 : i32
        %dma_wait3A_354 = tpu.memref_slice %arg2[%dma_wait3A_352, %dma_wait3A_353] : memref<589824x96xf32, #tpu.memory_space<hbm>> -> memref<589824x96xf32, #tpu.memory_space<hbm>>
        tpu.wait_indirect_dma semaphore(%arg19 : memref<!tpu.dma_semaphore, #tpu.memory_space<semaphore_mem>>) src(%dma_wait3A_354 : memref<589824x96xf32, #tpu.memory_space<hbm>>) dst(%arg15 : memref<64x96xf32, #tpu.memory_space<vmem>>)
        %dma_wait3A_355 = arith.constant 0 : i32
        %dma_wait3A_356 = arith.constant 0 : i32
        %dma_wait3A_357 = tpu.memref_slice %arg2[%dma_wait3A_355, %dma_wait3A_356] : memref<589824x96xf32, #tpu.memory_space<hbm>> -> memref<589824x96xf32, #tpu.memory_space<hbm>>
        tpu.wait_indirect_dma semaphore(%arg19 : memref<!tpu.dma_semaphore, #tpu.memory_space<semaphore_mem>>) src(%dma_wait3A_357 : memref<589824x96xf32, #tpu.memory_space<hbm>>) dst(%arg16 : memref<64x96xf32, #tpu.memory_space<vmem>>)
        %dma_wait3A_358 = arith.constant 0 : i32
        %dma_wait3A_359 = arith.constant 0 : i32
        %dma_wait3A_360 = tpu.memref_slice %arg2[%dma_wait3A_358, %dma_wait3A_359] : memref<589824x96xf32, #tpu.memory_space<hbm>> -> memref<589824x96xf32, #tpu.memory_space<hbm>>
        tpu.wait_indirect_dma semaphore(%arg19 : memref<!tpu.dma_semaphore, #tpu.memory_space<semaphore_mem>>) src(%dma_wait3A_360 : memref<589824x96xf32, #tpu.memory_space<hbm>>) dst(%arg17 : memref<64x96xf32, #tpu.memory_space<vmem>>)
        %scan3A_361 = arith.constant 0 : i32
        %scan3A_362 = arith.constant 0 : i32
        %scan3A_363 = arith.constant 64 : i32
        %scan3A_364 = arith.addi %scan3A_362, %scan3A_363 : i32
        %scan3A_365 = arith.constant 2 : i32
        scf.for %scan3A_367 = %scan3A_362 to %scan3A_364 step %scan3A_365  : i32 {
          %broadcast_in_dim3A_368 = vector.broadcast %scan3A_367 : i32 to vector<16xi32>
          %gather3A = tpu.vector_load_idx %arg8[%broadcast_in_dim3A_368] : memref<64xf32, #tpu.memory_space<vmem>>[vector<16xi32>], vector<16xf32>,
          %gather3A_369 = tpu.vector_load_idx %arg9[%broadcast_in_dim3A_368] : memref<64xf32, #tpu.memory_space<vmem>>[vector<16xi32>], vector<16xf32>,
          %get3A_370 = arith.index_cast %scan3A_367 : i32 to index
          %get3A_371 = arith.constant 0 : index
          %get3A_372 = tpu.vector_load %arg14[%get3A_370, %get3A_371] {strides = array<i32>} : memref<64x96xf32, #tpu.memory_space<vmem>>, vector<16xf32>,
          %get3A_373 = arith.index_cast %scan3A_367 : i32 to index
          %get3A_374 = arith.constant 0 : index
          %get3A_375 = tpu.vector_load %arg15[%get3A_373, %get3A_374] {strides = array<i32>} : memref<64x96xf32, #tpu.memory_space<vmem>>, vector<16xf32>,
          %get3A_376 = arith.index_cast %scan3A_367 : i32 to index
          %get3A_377 = arith.constant 0 : index
          %get3A_378 = tpu.vector_load %arg16[%get3A_376, %get3A_377] {strides = array<i32>} : memref<64x96xf32, #tpu.memory_space<vmem>>, vector<16xf32>,
          %get3A_379 = arith.index_cast %scan3A_367 : i32 to index
          %get3A_380 = arith.constant 0 : index
          %get3A_381 = tpu.vector_load %arg17[%get3A_379, %get3A_380] {strides = array<i32>} : memref<64x96xf32, #tpu.memory_space<vmem>>, vector<16xf32>,
          %sub3A_382 = arith.subf %get3A_375, %get3A_372 : vector<16xf32>
          %mul3A_383 = arith.mulf %gather3A, %sub3A_382 : vector<16xf32>
          %add3A_384 = arith.addf %get3A_372, %mul3A_383 : vector<16xf32>
          %sub3A_385 = arith.subf %get3A_381, %get3A_378 : vector<16xf32>
          %mul3A_386 = arith.mulf %gather3A, %sub3A_385 : vector<16xf32>
          %add3A_387 = arith.addf %get3A_378, %mul3A_386 : vector<16xf32>
          %sub3A_388 = arith.subf %add3A_387, %add3A_384 : vector<16xf32>
          %mul3A_389 = arith.mulf %gather3A_369, %sub3A_388 : vector<16xf32>
          %add3A_390 = arith.addf %add3A_384, %mul3A_389 : vector<16xf32>
          %swap3A_391 = arith.index_cast %scan3A_367 : i32 to index
          %swap3A_392 = arith.constant 0 : index
          %swap3A_393 = tpu.vector_load %arg18[%swap3A_391, %swap3A_392] {strides = array<i32>} : memref<64x96xf32, #tpu.memory_space<vmem>>, vector<16xf32>,
          tpu.vector_store %arg18[%swap3A_391, %swap3A_392], %add3A_390 {strides = array<i32>} : memref<64x96xf32, #tpu.memory_space<vmem>>, vector<16xf32>,
          %get3A_394 = arith.index_cast %scan3A_367 : i32 to index
          %get3A_395 = arith.constant 16 : index
          %get3A_396 = tpu.vector_load %arg14[%get3A_394, %get3A_395] {strides = array<i32>} : memref<64x96xf32, #tpu.memory_space<vmem>>, vector<16xf32>,
          %get3A_397 = arith.index_cast %scan3A_367 : i32 to index
          %get3A_398 = arith.constant 16 : index
          %get3A_399 = tpu.vector_load %arg15[%get3A_397, %get3A_398] {strides = array<i32>} : memref<64x96xf32, #tpu.memory_space<vmem>>, vector<16xf32>,
          %get3A_400 = arith.index_cast %scan3A_367 : i32 to index
          %get3A_401 = arith.constant 16 : index
          %get3A_402 = tpu.vector_load %arg16[%get3A_400, %get3A_401] {strides = array<i32>} : memref<64x96xf32, #tpu.memory_space<vmem>>, vector<16xf32>,
          %get3A_403 = arith.index_cast %scan3A_367 : i32 to index
          %get3A_404 = arith.constant 16 : index
          %get3A_405 = tpu.vector_load %arg17[%get3A_403, %get3A_404] {strides = array<i32>} : memref<64x96xf32, #tpu.memory_space<vmem>>, vector<16xf32>,
          %sub3A_406 = arith.subf %get3A_399, %get3A_396 : vector<16xf32>
          %mul3A_407 = arith.mulf %gather3A, %sub3A_406 : vector<16xf32>
          %add3A_408 = arith.addf %get3A_396, %mul3A_407 : vector<16xf32>
          %sub3A_409 = arith.subf %get3A_405, %get3A_402 : vector<16xf32>
          %mul3A_410 = arith.mulf %gather3A, %sub3A_409 : vector<16xf32>
          %add3A_411 = arith.addf %get3A_402, %mul3A_410 : vector<16xf32>
          %sub3A_412 = arith.subf %add3A_411, %add3A_408 : vector<16xf32>
          %mul3A_413 = arith.mulf %gather3A_369, %sub3A_412 : vector<16xf32>
          %add3A_414 = arith.addf %add3A_408, %mul3A_413 : vector<16xf32>
          %swap3A_415 = arith.index_cast %scan3A_367 : i32 to index
          %swap3A_416 = arith.constant 16 : index
          %swap3A_417 = tpu.vector_load %arg18[%swap3A_415, %swap3A_416] {strides = array<i32>} : memref<64x96xf32, #tpu.memory_space<vmem>>, vector<16xf32>,
          tpu.vector_store %arg18[%swap3A_415, %swap3A_416], %add3A_414 {strides = array<i32>} : memref<64x96xf32, #tpu.memory_space<vmem>>, vector<16xf32>,
          %get3A_418 = arith.index_cast %scan3A_367 : i32 to index
          %get3A_419 = arith.constant 32 : index
          %get3A_420 = tpu.vector_load %arg14[%get3A_418, %get3A_419] {strides = array<i32>} : memref<64x96xf32, #tpu.memory_space<vmem>>, vector<16xf32>,
          %get3A_421 = arith.index_cast %scan3A_367 : i32 to index
          %get3A_422 = arith.constant 32 : index
          %get3A_423 = tpu.vector_load %arg15[%get3A_421, %get3A_422] {strides = array<i32>} : memref<64x96xf32, #tpu.memory_space<vmem>>, vector<16xf32>,
          %get3A_424 = arith.index_cast %scan3A_367 : i32 to index
          %get3A_425 = arith.constant 32 : index
          %get3A_426 = tpu.vector_load %arg16[%get3A_424, %get3A_425] {strides = array<i32>} : memref<64x96xf32, #tpu.memory_space<vmem>>, vector<16xf32>,
          %get3A_427 = arith.index_cast %scan3A_367 : i32 to index
          %get3A_428 = arith.constant 32 : index
          %get3A_429 = tpu.vector_load %arg17[%get3A_427, %get3A_428] {strides = array<i32>} : memref<64x96xf32, #tpu.memory_space<vmem>>, vector<16xf32>,
          %sub3A_430 = arith.subf %get3A_423, %get3A_420 : vector<16xf32>
          %mul3A_431 = arith.mulf %gather3A, %sub3A_430 : vector<16xf32>
          %add3A_432 = arith.addf %get3A_420, %mul3A_431 : vector<16xf32>
          %sub3A_433 = arith.subf %get3A_429, %get3A_426 : vector<16xf32>
          %mul3A_434 = arith.mulf %gather3A, %sub3A_433 : vector<16xf32>
          %add3A_435 = arith.addf %get3A_426, %mul3A_434 : vector<16xf32>
          %sub3A_436 = arith.subf %add3A_435, %add3A_432 : vector<16xf32>
          %mul3A_437 = arith.mulf %gather3A_369, %sub3A_436 : vector<16xf32>
          %add3A_438 = arith.addf %add3A_432, %mul3A_437 : vector<16xf32>
          %swap3A_439 = arith.index_cast %scan3A_367 : i32 to index
          %swap3A_440 = arith.constant 32 : index
          %swap3A_441 = tpu.vector_load %arg18[%swap3A_439, %swap3A_440] {strides = array<i32>} : memref<64x96xf32, #tpu.memory_space<vmem>>, vector<16xf32>,
          tpu.vector_store %arg18[%swap3A_439, %swap3A_440], %add3A_438 {strides = array<i32>} : memref<64x96xf32, #tpu.memory_space<vmem>>, vector<16xf32>,
          %get3A_442 = arith.index_cast %scan3A_367 : i32 to index
          %get3A_443 = arith.constant 48 : index
          %get3A_444 = tpu.vector_load %arg14[%get3A_442, %get3A_443] {strides = array<i32>} : memref<64x96xf32, #tpu.memory_space<vmem>>, vector<16xf32>,
          %get3A_445 = arith.index_cast %scan3A_367 : i32 to index
          %get3A_446 = arith.constant 48 : index
          %get3A_447 = tpu.vector_load %arg15[%get3A_445, %get3A_446] {strides = array<i32>} : memref<64x96xf32, #tpu.memory_space<vmem>>, vector<16xf32>,
          %get3A_448 = arith.index_cast %scan3A_367 : i32 to index
          %get3A_449 = arith.constant 48 : index
          %get3A_450 = tpu.vector_load %arg16[%get3A_448, %get3A_449] {strides = array<i32>} : memref<64x96xf32, #tpu.memory_space<vmem>>, vector<16xf32>,
          %get3A_451 = arith.index_cast %scan3A_367 : i32 to index
          %get3A_452 = arith.constant 48 : index
          %get3A_453 = tpu.vector_load %arg17[%get3A_451, %get3A_452] {strides = array<i32>} : memref<64x96xf32, #tpu.memory_space<vmem>>, vector<16xf32>,
          %sub3A_454 = arith.subf %get3A_447, %get3A_444 : vector<16xf32>
          %mul3A_455 = arith.mulf %gather3A, %sub3A_454 : vector<16xf32>
          %add3A_456 = arith.addf %get3A_444, %mul3A_455 : vector<16xf32>
          %sub3A_457 = arith.subf %get3A_453, %get3A_450 : vector<16xf32>
          %mul3A_458 = arith.mulf %gather3A, %sub3A_457 : vector<16xf32>
          %add3A_459 = arith.addf %get3A_450, %mul3A_458 : vector<16xf32>
          %sub3A_460 = arith.subf %add3A_459, %add3A_456 : vector<16xf32>
          %mul3A_461 = arith.mulf %gather3A_369, %sub3A_460 : vector<16xf32>
          %add3A_462 = arith.addf %add3A_456, %mul3A_461 : vector<16xf32>
          %swap3A_463 = arith.index_cast %scan3A_367 : i32 to index
          %swap3A_464 = arith.constant 48 : index
          %swap3A_465 = tpu.vector_load %arg18[%swap3A_463, %swap3A_464] {strides = array<i32>} : memref<64x96xf32, #tpu.memory_space<vmem>>, vector<16xf32>,
          tpu.vector_store %arg18[%swap3A_463, %swap3A_464], %add3A_462 {strides = array<i32>} : memref<64x96xf32, #tpu.memory_space<vmem>>, vector<16xf32>,
          %get3A_466 = arith.index_cast %scan3A_367 : i32 to index
          %get3A_467 = arith.constant 64 : index
          %get3A_468 = tpu.vector_load %arg14[%get3A_466, %get3A_467] {strides = array<i32>} : memref<64x96xf32, #tpu.memory_space<vmem>>, vector<16xf32>,
          %get3A_469 = arith.index_cast %scan3A_367 : i32 to index
          %get3A_470 = arith.constant 64 : index
          %get3A_471 = tpu.vector_load %arg15[%get3A_469, %get3A_470] {strides = array<i32>} : memref<64x96xf32, #tpu.memory_space<vmem>>, vector<16xf32>,
          %get3A_472 = arith.index_cast %scan3A_367 : i32 to index
          %get3A_473 = arith.constant 64 : index
          %get3A_474 = tpu.vector_load %arg16[%get3A_472, %get3A_473] {strides = array<i32>} : memref<64x96xf32, #tpu.memory_space<vmem>>, vector<16xf32>,
          %get3A_475 = arith.index_cast %scan3A_367 : i32 to index
          %get3A_476 = arith.constant 64 : index
          %get3A_477 = tpu.vector_load %arg17[%get3A_475, %get3A_476] {strides = array<i32>} : memref<64x96xf32, #tpu.memory_space<vmem>>, vector<16xf32>,
          %sub3A_478 = arith.subf %get3A_471, %get3A_468 : vector<16xf32>
          %mul3A_479 = arith.mulf %gather3A, %sub3A_478 : vector<16xf32>
          %add3A_480 = arith.addf %get3A_468, %mul3A_479 : vector<16xf32>
          %sub3A_481 = arith.subf %get3A_477, %get3A_474 : vector<16xf32>
          %mul3A_482 = arith.mulf %gather3A, %sub3A_481 : vector<16xf32>
          %add3A_483 = arith.addf %get3A_474, %mul3A_482 : vector<16xf32>
          %sub3A_484 = arith.subf %add3A_483, %add3A_480 : vector<16xf32>
          %mul3A_485 = arith.mulf %gather3A_369, %sub3A_484 : vector<16xf32>
          %add3A_486 = arith.addf %add3A_480, %mul3A_485 : vector<16xf32>
          %swap3A_487 = arith.index_cast %scan3A_367 : i32 to index
          %swap3A_488 = arith.constant 64 : index
          %swap3A_489 = tpu.vector_load %arg18[%swap3A_487, %swap3A_488] {strides = array<i32>} : memref<64x96xf32, #tpu.memory_space<vmem>>, vector<16xf32>,
          tpu.vector_store %arg18[%swap3A_487, %swap3A_488], %add3A_486 {strides = array<i32>} : memref<64x96xf32, #tpu.memory_space<vmem>>, vector<16xf32>,
          %get3A_490 = arith.index_cast %scan3A_367 : i32 to index
          %get3A_491 = arith.constant 80 : index
          %get3A_492 = tpu.vector_load %arg14[%get3A_490, %get3A_491] {strides = array<i32>} : memref<64x96xf32, #tpu.memory_space<vmem>>, vector<16xf32>,
          %get3A_493 = arith.index_cast %scan3A_367 : i32 to index
          %get3A_494 = arith.constant 80 : index
          %get3A_495 = tpu.vector_load %arg15[%get3A_493, %get3A_494] {strides = array<i32>} : memref<64x96xf32, #tpu.memory_space<vmem>>, vector<16xf32>,
          %get3A_496 = arith.index_cast %scan3A_367 : i32 to index
          %get3A_497 = arith.constant 80 : index
          %get3A_498 = tpu.vector_load %arg16[%get3A_496, %get3A_497] {strides = array<i32>} : memref<64x96xf32, #tpu.memory_space<vmem>>, vector<16xf32>,
          %get3A_499 = arith.index_cast %scan3A_367 : i32 to index
          %get3A_500 = arith.constant 80 : index
          %get3A_501 = tpu.vector_load %arg17[%get3A_499, %get3A_500] {strides = array<i32>} : memref<64x96xf32, #tpu.memory_space<vmem>>, vector<16xf32>,
          %sub3A_502 = arith.subf %get3A_495, %get3A_492 : vector<16xf32>
          %mul3A_503 = arith.mulf %gather3A, %sub3A_502 : vector<16xf32>
          %add3A_504 = arith.addf %get3A_492, %mul3A_503 : vector<16xf32>
          %sub3A_505 = arith.subf %get3A_501, %get3A_498 : vector<16xf32>
          %mul3A_506 = arith.mulf %gather3A, %sub3A_505 : vector<16xf32>
          %add3A_507 = arith.addf %get3A_498, %mul3A_506 : vector<16xf32>
          %sub3A_508 = arith.subf %add3A_507, %add3A_504 : vector<16xf32>
          %mul3A_509 = arith.mulf %gather3A_369, %sub3A_508 : vector<16xf32>
          %add3A_510 = arith.addf %add3A_504, %mul3A_509 : vector<16xf32>
          %swap3A_511 = arith.index_cast %scan3A_367 : i32 to index
          %swap3A_512 = arith.constant 80 : index
          %swap3A_513 = tpu.vector_load %arg18[%swap3A_511, %swap3A_512] {strides = array<i32>} : memref<64x96xf32, #tpu.memory_space<vmem>>, vector<16xf32>,
          tpu.vector_store %arg18[%swap3A_511, %swap3A_512], %add3A_510 {strides = array<i32>} : memref<64x96xf32, #tpu.memory_space<vmem>>, vector<16xf32>,
          %scan3A_514 = arith.constant 1 : i32
          %scan3A_515 = arith.addi %scan3A_367, %scan3A_514 : i32
          %broadcast_in_dim3A_516 = vector.broadcast %scan3A_515 : i32 to vector<16xi32>
          %gather3A_517 = tpu.vector_load_idx %arg8[%broadcast_in_dim3A_516] : memref<64xf32, #tpu.memory_space<vmem>>[vector<16xi32>], vector<16xf32>,
          %gather3A_518 = tpu.vector_load_idx %arg9[%broadcast_in_dim3A_516] : memref<64xf32, #tpu.memory_space<vmem>>[vector<16xi32>], vector<16xf32>,
          %get3A_519 = arith.index_cast %scan3A_515 : i32 to index
          %get3A_520 = arith.constant 0 : index
          %get3A_521 = tpu.vector_load %arg14[%get3A_519, %get3A_520] {strides = array<i32>} : memref<64x96xf32, #tpu.memory_space<vmem>>, vector<16xf32>,
          %get3A_522 = arith.index_cast %scan3A_515 : i32 to index
          %get3A_523 = arith.constant 0 : index
          %get3A_524 = tpu.vector_load %arg15[%get3A_522, %get3A_523] {strides = array<i32>} : memref<64x96xf32, #tpu.memory_space<vmem>>, vector<16xf32>,
          %get3A_525 = arith.index_cast %scan3A_515 : i32 to index
          %get3A_526 = arith.constant 0 : index
          %get3A_527 = tpu.vector_load %arg16[%get3A_525, %get3A_526] {strides = array<i32>} : memref<64x96xf32, #tpu.memory_space<vmem>>, vector<16xf32>,
          %get3A_528 = arith.index_cast %scan3A_515 : i32 to index
          %get3A_529 = arith.constant 0 : index
          %get3A_530 = tpu.vector_load %arg17[%get3A_528, %get3A_529] {strides = array<i32>} : memref<64x96xf32, #tpu.memory_space<vmem>>, vector<16xf32>,
          %sub3A_531 = arith.subf %get3A_524, %get3A_521 : vector<16xf32>
          %mul3A_532 = arith.mulf %gather3A_517, %sub3A_531 : vector<16xf32>
          %add3A_533 = arith.addf %get3A_521, %mul3A_532 : vector<16xf32>
          %sub3A_534 = arith.subf %get3A_530, %get3A_527 : vector<16xf32>
          %mul3A_535 = arith.mulf %gather3A_517, %sub3A_534 : vector<16xf32>
          %add3A_536 = arith.addf %get3A_527, %mul3A_535 : vector<16xf32>
          %sub3A_537 = arith.subf %add3A_536, %add3A_533 : vector<16xf32>
          %mul3A_538 = arith.mulf %gather3A_518, %sub3A_537 : vector<16xf32>
          %add3A_539 = arith.addf %add3A_533, %mul3A_538 : vector<16xf32>
          %swap3A_540 = arith.index_cast %scan3A_515 : i32 to index
          %swap3A_541 = arith.constant 0 : index
          %swap3A_542 = tpu.vector_load %arg18[%swap3A_540, %swap3A_541] {strides = array<i32>} : memref<64x96xf32, #tpu.memory_space<vmem>>, vector<16xf32>,
          tpu.vector_store %arg18[%swap3A_540, %swap3A_541], %add3A_539 {strides = array<i32>} : memref<64x96xf32, #tpu.memory_space<vmem>>, vector<16xf32>,
          %get3A_543 = arith.index_cast %scan3A_515 : i32 to index
          %get3A_544 = arith.constant 16 : index
          %get3A_545 = tpu.vector_load %arg14[%get3A_543, %get3A_544] {strides = array<i32>} : memref<64x96xf32, #tpu.memory_space<vmem>>, vector<16xf32>,
          %get3A_546 = arith.index_cast %scan3A_515 : i32 to index
          %get3A_547 = arith.constant 16 : index
          %get3A_548 = tpu.vector_load %arg15[%get3A_546, %get3A_547] {strides = array<i32>} : memref<64x96xf32, #tpu.memory_space<vmem>>, vector<16xf32>,
          %get3A_549 = arith.index_cast %scan3A_515 : i32 to index
          %get3A_550 = arith.constant 16 : index
          %get3A_551 = tpu.vector_load %arg16[%get3A_549, %get3A_550] {strides = array<i32>} : memref<64x96xf32, #tpu.memory_space<vmem>>, vector<16xf32>,
          %get3A_552 = arith.index_cast %scan3A_515 : i32 to index
          %get3A_553 = arith.constant 16 : index
          %get3A_554 = tpu.vector_load %arg17[%get3A_552, %get3A_553] {strides = array<i32>} : memref<64x96xf32, #tpu.memory_space<vmem>>, vector<16xf32>,
          %sub3A_555 = arith.subf %get3A_548, %get3A_545 : vector<16xf32>
          %mul3A_556 = arith.mulf %gather3A_517, %sub3A_555 : vector<16xf32>
          %add3A_557 = arith.addf %get3A_545, %mul3A_556 : vector<16xf32>
          %sub3A_558 = arith.subf %get3A_554, %get3A_551 : vector<16xf32>
          %mul3A_559 = arith.mulf %gather3A_517, %sub3A_558 : vector<16xf32>
          %add3A_560 = arith.addf %get3A_551, %mul3A_559 : vector<16xf32>
          %sub3A_561 = arith.subf %add3A_560, %add3A_557 : vector<16xf32>
          %mul3A_562 = arith.mulf %gather3A_518, %sub3A_561 : vector<16xf32>
          %add3A_563 = arith.addf %add3A_557, %mul3A_562 : vector<16xf32>
          %swap3A_564 = arith.index_cast %scan3A_515 : i32 to index
          %swap3A_565 = arith.constant 16 : index
          %swap3A_566 = tpu.vector_load %arg18[%swap3A_564, %swap3A_565] {strides = array<i32>} : memref<64x96xf32, #tpu.memory_space<vmem>>, vector<16xf32>,
          tpu.vector_store %arg18[%swap3A_564, %swap3A_565], %add3A_563 {strides = array<i32>} : memref<64x96xf32, #tpu.memory_space<vmem>>, vector<16xf32>,
          %get3A_567 = arith.index_cast %scan3A_515 : i32 to index
          %get3A_568 = arith.constant 32 : index
          %get3A_569 = tpu.vector_load %arg14[%get3A_567, %get3A_568] {strides = array<i32>} : memref<64x96xf32, #tpu.memory_space<vmem>>, vector<16xf32>,
          %get3A_570 = arith.index_cast %scan3A_515 : i32 to index
          %get3A_571 = arith.constant 32 : index
          %get3A_572 = tpu.vector_load %arg15[%get3A_570, %get3A_571] {strides = array<i32>} : memref<64x96xf32, #tpu.memory_space<vmem>>, vector<16xf32>,
          %get3A_573 = arith.index_cast %scan3A_515 : i32 to index
          %get3A_574 = arith.constant 32 : index
          %get3A_575 = tpu.vector_load %arg16[%get3A_573, %get3A_574] {strides = array<i32>} : memref<64x96xf32, #tpu.memory_space<vmem>>, vector<16xf32>,
          %get3A_576 = arith.index_cast %scan3A_515 : i32 to index
          %get3A_577 = arith.constant 32 : index
          %get3A_578 = tpu.vector_load %arg17[%get3A_576, %get3A_577] {strides = array<i32>} : memref<64x96xf32, #tpu.memory_space<vmem>>, vector<16xf32>,
          %sub3A_579 = arith.subf %get3A_572, %get3A_569 : vector<16xf32>
          %mul3A_580 = arith.mulf %gather3A_517, %sub3A_579 : vector<16xf32>
          %add3A_581 = arith.addf %get3A_569, %mul3A_580 : vector<16xf32>
          %sub3A_582 = arith.subf %get3A_578, %get3A_575 : vector<16xf32>
          %mul3A_583 = arith.mulf %gather3A_517, %sub3A_582 : vector<16xf32>
          %add3A_584 = arith.addf %get3A_575, %mul3A_583 : vector<16xf32>
          %sub3A_585 = arith.subf %add3A_584, %add3A_581 : vector<16xf32>
          %mul3A_586 = arith.mulf %gather3A_518, %sub3A_585 : vector<16xf32>
          %add3A_587 = arith.addf %add3A_581, %mul3A_586 : vector<16xf32>
          %swap3A_588 = arith.index_cast %scan3A_515 : i32 to index
          %swap3A_589 = arith.constant 32 : index
          %swap3A_590 = tpu.vector_load %arg18[%swap3A_588, %swap3A_589] {strides = array<i32>} : memref<64x96xf32, #tpu.memory_space<vmem>>, vector<16xf32>,
          tpu.vector_store %arg18[%swap3A_588, %swap3A_589], %add3A_587 {strides = array<i32>} : memref<64x96xf32, #tpu.memory_space<vmem>>, vector<16xf32>,
          %get3A_591 = arith.index_cast %scan3A_515 : i32 to index
          %get3A_592 = arith.constant 48 : index
          %get3A_593 = tpu.vector_load %arg14[%get3A_591, %get3A_592] {strides = array<i32>} : memref<64x96xf32, #tpu.memory_space<vmem>>, vector<16xf32>,
          %get3A_594 = arith.index_cast %scan3A_515 : i32 to index
          %get3A_595 = arith.constant 48 : index
          %get3A_596 = tpu.vector_load %arg15[%get3A_594, %get3A_595] {strides = array<i32>} : memref<64x96xf32, #tpu.memory_space<vmem>>, vector<16xf32>,
          %get3A_597 = arith.index_cast %scan3A_515 : i32 to index
          %get3A_598 = arith.constant 48 : index
          %get3A_599 = tpu.vector_load %arg16[%get3A_597, %get3A_598] {strides = array<i32>} : memref<64x96xf32, #tpu.memory_space<vmem>>, vector<16xf32>,
          %get3A_600 = arith.index_cast %scan3A_515 : i32 to index
          %get3A_601 = arith.constant 48 : index
          %get3A_602 = tpu.vector_load %arg17[%get3A_600, %get3A_601] {strides = array<i32>} : memref<64x96xf32, #tpu.memory_space<vmem>>, vector<16xf32>,
          %sub3A_603 = arith.subf %get3A_596, %get3A_593 : vector<16xf32>
          %mul3A_604 = arith.mulf %gather3A_517, %sub3A_603 : vector<16xf32>
          %add3A_605 = arith.addf %get3A_593, %mul3A_604 : vector<16xf32>
          %sub3A_606 = arith.subf %get3A_602, %get3A_599 : vector<16xf32>
          %mul3A_607 = arith.mulf %gather3A_517, %sub3A_606 : vector<16xf32>
          %add3A_608 = arith.addf %get3A_599, %mul3A_607 : vector<16xf32>
          %sub3A_609 = arith.subf %add3A_608, %add3A_605 : vector<16xf32>
          %mul3A_610 = arith.mulf %gather3A_518, %sub3A_609 : vector<16xf32>
          %add3A_611 = arith.addf %add3A_605, %mul3A_610 : vector<16xf32>
          %swap3A_612 = arith.index_cast %scan3A_515 : i32 to index
          %swap3A_613 = arith.constant 48 : index
          %swap3A_614 = tpu.vector_load %arg18[%swap3A_612, %swap3A_613] {strides = array<i32>} : memref<64x96xf32, #tpu.memory_space<vmem>>, vector<16xf32>,
          tpu.vector_store %arg18[%swap3A_612, %swap3A_613], %add3A_611 {strides = array<i32>} : memref<64x96xf32, #tpu.memory_space<vmem>>, vector<16xf32>,
          %get3A_615 = arith.index_cast %scan3A_515 : i32 to index
          %get3A_616 = arith.constant 64 : index
          %get3A_617 = tpu.vector_load %arg14[%get3A_615, %get3A_616] {strides = array<i32>} : memref<64x96xf32, #tpu.memory_space<vmem>>, vector<16xf32>,
          %get3A_618 = arith.index_cast %scan3A_515 : i32 to index
          %get3A_619 = arith.constant 64 : index
          %get3A_620 = tpu.vector_load %arg15[%get3A_618, %get3A_619] {strides = array<i32>} : memref<64x96xf32, #tpu.memory_space<vmem>>, vector<16xf32>,
          %get3A_621 = arith.index_cast %scan3A_515 : i32 to index
          %get3A_622 = arith.constant 64 : index
          %get3A_623 = tpu.vector_load %arg16[%get3A_621, %get3A_622] {strides = array<i32>} : memref<64x96xf32, #tpu.memory_space<vmem>>, vector<16xf32>,
          %get3A_624 = arith.index_cast %scan3A_515 : i32 to index
          %get3A_625 = arith.constant 64 : index
          %get3A_626 = tpu.vector_load %arg17[%get3A_624, %get3A_625] {strides = array<i32>} : memref<64x96xf32, #tpu.memory_space<vmem>>, vector<16xf32>,
          %sub3A_627 = arith.subf %get3A_620, %get3A_617 : vector<16xf32>
          %mul3A_628 = arith.mulf %gather3A_517, %sub3A_627 : vector<16xf32>
          %add3A_629 = arith.addf %get3A_617, %mul3A_628 : vector<16xf32>
          %sub3A_630 = arith.subf %get3A_626, %get3A_623 : vector<16xf32>
          %mul3A_631 = arith.mulf %gather3A_517, %sub3A_630 : vector<16xf32>
          %add3A_632 = arith.addf %get3A_623, %mul3A_631 : vector<16xf32>
          %sub3A_633 = arith.subf %add3A_632, %add3A_629 : vector<16xf32>
          %mul3A_634 = arith.mulf %gather3A_518, %sub3A_633 : vector<16xf32>
          %add3A_635 = arith.addf %add3A_629, %mul3A_634 : vector<16xf32>
          %swap3A_636 = arith.index_cast %scan3A_515 : i32 to index
          %swap3A_637 = arith.constant 64 : index
          %swap3A_638 = tpu.vector_load %arg18[%swap3A_636, %swap3A_637] {strides = array<i32>} : memref<64x96xf32, #tpu.memory_space<vmem>>, vector<16xf32>,
          tpu.vector_store %arg18[%swap3A_636, %swap3A_637], %add3A_635 {strides = array<i32>} : memref<64x96xf32, #tpu.memory_space<vmem>>, vector<16xf32>,
          %get3A_639 = arith.index_cast %scan3A_515 : i32 to index
          %get3A_640 = arith.constant 80 : index
          %get3A_641 = tpu.vector_load %arg14[%get3A_639, %get3A_640] {strides = array<i32>} : memref<64x96xf32, #tpu.memory_space<vmem>>, vector<16xf32>,
          %get3A_642 = arith.index_cast %scan3A_515 : i32 to index
          %get3A_643 = arith.constant 80 : index
          %get3A_644 = tpu.vector_load %arg15[%get3A_642, %get3A_643] {strides = array<i32>} : memref<64x96xf32, #tpu.memory_space<vmem>>, vector<16xf32>,
          %get3A_645 = arith.index_cast %scan3A_515 : i32 to index
          %get3A_646 = arith.constant 80 : index
          %get3A_647 = tpu.vector_load %arg16[%get3A_645, %get3A_646] {strides = array<i32>} : memref<64x96xf32, #tpu.memory_space<vmem>>, vector<16xf32>,
          %get3A_648 = arith.index_cast %scan3A_515 : i32 to index
          %get3A_649 = arith.constant 80 : index
          %get3A_650 = tpu.vector_load %arg17[%get3A_648, %get3A_649] {strides = array<i32>} : memref<64x96xf32, #tpu.memory_space<vmem>>, vector<16xf32>,
          %sub3A_651 = arith.subf %get3A_644, %get3A_641 : vector<16xf32>
          %mul3A_652 = arith.mulf %gather3A_517, %sub3A_651 : vector<16xf32>
          %add3A_653 = arith.addf %get3A_641, %mul3A_652 : vector<16xf32>
          %sub3A_654 = arith.subf %get3A_650, %get3A_647 : vector<16xf32>
          %mul3A_655 = arith.mulf %gather3A_517, %sub3A_654 : vector<16xf32>
          %add3A_656 = arith.addf %get3A_647, %mul3A_655 : vector<16xf32>
          %sub3A_657 = arith.subf %add3A_656, %add3A_653 : vector<16xf32>
          %mul3A_658 = arith.mulf %gather3A_518, %sub3A_657 : vector<16xf32>
          %add3A_659 = arith.addf %add3A_653, %mul3A_658 : vector<16xf32>
          %swap3A_660 = arith.index_cast %scan3A_515 : i32 to index
          %swap3A_661 = arith.constant 80 : index
          %swap3A_662 = tpu.vector_load %arg18[%swap3A_660, %swap3A_661] {strides = array<i32>} : memref<64x96xf32, #tpu.memory_space<vmem>>, vector<16xf32>,
          tpu.vector_store %arg18[%swap3A_660, %swap3A_661], %add3A_659 {strides = array<i32>} : memref<64x96xf32, #tpu.memory_space<vmem>>, vector<16xf32>,
        }
        %scan3A_366 = arith.constant 64 : i32
        "tpu.region"() ({
          %run_scoped3A = tpu.sem_alloc : memref<!tpu.dma_semaphore, #tpu.memory_space<semaphore_mem>>
          %dma_start3A_367 = arith.constant 0 : i32
          %dma_start3A_368 = tpu.memref_slice %arg5[%add3A_58, %dma_start3A_367] : memref<589824x96xf32, #tpu.memory_space<hbm>> -> memref<64x96xf32, #tpu.memory_space<hbm>>
          %dma_start3A_369 = arith.constant 0 : i32
          %dma_start3A_370 = tpu.memref_slice %arg5[%add3A_58, %dma_start3A_369] : memref<589824x96xf32, #tpu.memory_space<hbm>> -> memref<64x96xf32, #tpu.memory_space<hbm>>
          tpu.enqueue_dma source(%arg18 : memref<64x96xf32, #tpu.memory_space<vmem>>) target(%dma_start3A_370 : memref<64x96xf32, #tpu.memory_space<hbm>>) target_semaphore(%run_scoped3A : memref<!tpu.dma_semaphore, #tpu.memory_space<semaphore_mem>>)
          %dma_wait3A_371 = arith.constant 0 : i32
          %dma_wait3A_372 = tpu.memref_slice %arg5[%add3A_58, %dma_wait3A_371] : memref<589824x96xf32, #tpu.memory_space<hbm>> -> memref<64x96xf32, #tpu.memory_space<hbm>>
          %dma_wait3A_373 = arith.constant 0 : i32
          %dma_wait3A_374 = tpu.memref_slice %arg5[%add3A_58, %dma_wait3A_373] : memref<589824x96xf32, #tpu.memory_space<hbm>> -> memref<64x96xf32, #tpu.memory_space<hbm>>
          tpu.wait_dma2 semaphore(%run_scoped3A : memref<!tpu.dma_semaphore, #tpu.memory_space<semaphore_mem>>) src(%arg18 : memref<64x96xf32, #tpu.memory_space<vmem>>) dst(%dma_wait3A_374 : memref<64x96xf32, #tpu.memory_space<hbm>>)
          tpu.yield
        }) : () -> ()
      }
      %scan3A_54 = arith.constant 6 : i32
    }
    %scan3A_43 = arith.constant 48 : i32
    return
  }
}

</mosaic_0001>

<sc_bundles>
// kernel: kernel.3.cloned.1.call-start
scs
__scs_entry_jumppad:
0x0: {  	(pc) =	sbr.rel $0x88, $3  }
0x1: {  	(tag) =	ssettag $0x0;
	lr =	simm.s32 $0x1  }
0x2: {  	[smem:$0x3F9F] =	sst lr;
	_ =	strace $0xD0000000  }
0x3: {  	_ = 	snop  }
0x4: {  	_ = 	snop  }
0x5: {  	_ = 	snop  }
0x6: {  	_ = 	snop  }
0x7: {  	_ = 	snop  }
__scs_overlays_trampoline_lowered:
0x8: {  	[smem:$0x3FAE] =	sst s0  }
0x9: {  	[smem:$0x3FAF] =	sst s1  }
0xa: {  	[smem:$0x3FB0] =	sst s2  }
0xb: {  	[smem:$0x3FB1] =	sst s3  }
0xc: {  	[smem:$0x3FB2] =	sst s4  }
0xd: {  	[smem:$0x3FB3] =	sst s5  }
0xe: {  	[smem:$0x3FB4] =	sst s6  }
0xf: {  	[smem:$0x3FB5] =	sst s7  }
0x10: {  	[smem:$0x3FB6] =	sst s8  }
0x11: {  	[smem:$0x3FB7] =	sst s9;
	s0 =	simm.s32 @!p0 $0x0  }
0x12: {  	s1 =	sld [smem:$0x3F9D];
	s0 =	simm.s32 @p0 $0x1  }
0x13: {  	[smem:$0x3FB8] =	sst s0;
	s0 =	simm.s32 @!p1 $0x0  }
0x14: {  	s2 =	sld [smem:$0x3F9C];
	s0 =	simm.s32 @p1 $0x1  }
0x15: {  	[smem:$0x3FB9] =	sst s0;
	s0 =	simm.s32 @!p2 $0x0  }
0x16: {  	s3 =	sld [smem:$0x3FDB];
	s0 =	simm.s32 @p2 $0x1  }
0x17: {  	s4 =	simm.s32 $0x1BF5;
	[smem:$0x3FBB] =	sst s0  }
0x18: {  	s0 =	sld [smem:$0x3F9E];
	_ =	swait.ge [sflag:s4], $0x0  }
0x19: {  	s7 =	sld [smem:$0x3F9F]  }
0x1a: {  	s8 =	sadd.s32 $0xFFFFE003, lr  }
0x1b: {  	s9 =	sadd.s32 $0xFFFFFEF7, lr;
	s5 =	simm.s32 $0xFFFFFFFF;
	p2 =	slt.u32 s8, $0xFFFFF086  }
0x1c: {  	p1 =	slt.u32 s9, $0xF7A;
	s5 =	simm.s32 @!p2 $0x0  }
0x1d: {  	s5 =	simm.s32 @p1 $0x1;
	p0 =	seq.s32 s7, s2  }
0x1e: {  	s7 =	smul.u32 @!p0 $0xF7A, s2;
	p2 =	seq.s32 @!p0 s5, $0x0  }
0x1f: {  	s9 =	smul.u32 $0xF7A, s1;
	s8 =	simm.s32 @!p0 $0x1BF5;
	p2 =	por !p2, p0  }
0x20: {  	[sflag:s8] =	ssyncset.s32 @!p0 $0xFFFFF086;
	s6 =	sadd.s32 @!p0 s3, s7;
	s7 =	simm.s32 @!p0 $0x108  }
0x21: {  	s3 =	sadd.s32 s3, s9;
	s6 =	sadd.s32 @!p0 $0x88, s6;
	s7 =	simm.s32 @p2 $0x1082  }
0x22: {  	[simem:s7], [sflag:s8] =	dma.local @!p0 [hbm:s6], $0xF7A  }
0x23: {  	s9 =	sor.u32 $0xD0000000, s2;
	s6 =	simm.s32 $0x108;
	_ =	swait.ge @!p0 [sflag:s8], $0x0  }
0x24: {  	s3 =	sadd.s32 $0x88, s3;
	s6 =	simm.s32 @!p1 $0x1082;
	[sflag:s4] =	ssyncset.s32 $0xFFFFF086  }
0x25: {  	[simem:s6], [sflag:s4] =	dma.local [hbm:s3], $0xF7A  }
0x26: {  	[smem:$0x3F9F] =	sst s1;
	(tag) =	ssettag s2;
	_ =	strace s9  }
0x27: {  	s1 =	sld [smem:$0x3FAF]  }
0x28: {  	s2 =	sld [smem:$0x3FB0]  }
0x29: {  	s4 =	sld [smem:$0x3FB2]  }
0x2a: {  	p0 =	seq.s32 s5, $0x0;
	s5 =	sld [smem:$0x3FB3]  }
0x2b: {  	s6 =	sld [smem:$0x3FB4]  }
0x2c: {  	s7 =	sld [smem:$0x3FB5]  }
0x2d: {  	s3 =	simm.s32 $0x108;
	s8 =	sld [smem:$0x3FB6]  }
0x2e: {  	s3 =	simm.s32 @!p0 $0x1082;
	s9 =	sld [smem:$0x3FB7]  }
0x2f: {  	lr =	sadd.s32 s0, s3;
	s0 =	sld [smem:$0x3FAE]  }
0x30: {  	s3 =	sld [smem:$0x3FB1]  }
0x31: {  	[smem:$0x3FBA] =	sst s10  }
0x32: {  	s10 =	sld [smem:$0x3FB8];
	_ =	sdelay $0x3  }
0x33: {  	p0 =	seq.s32 s10, $0x1;
	s10 =	sld [smem:$0x3FBA];
	_ =	sdelay $0x3  }
0x34: {  	[smem:$0x3FBA] =	sst s10  }
0x35: {  	s10 =	sld [smem:$0x3FB9];
	_ =	sdelay $0x3  }
0x36: {  	p1 =	seq.s32 s10, $0x1;
	s10 =	sld [smem:$0x3FBA];
	_ =	sdelay $0x3  }
0x37: {  	[smem:$0x3FBA] =	sst s10  }
0x38: {  	s10 =	sld [smem:$0x3FBB]  }
0x39: {  	_ = 	snop;
	(pc) =	sbr.ind lr, $3  }
0x3a: {  	_ = 	snop  }
0x3b: {  	_ = 	snop  }
0x3c: {  	p2 =	seq.s32 s10, $0x1;
	s10 =	sld [smem:$0x3FBA]  }
0x3d: {  	_ =	shalt  }
0x3e: {  	_ =	shalt  }
0x3f: {  	_ =	shalt  }
0x40: {  	_ =	shalt  }
0x41: {  	_ =	shalt  }
0x42: {  	_ =	shalt  }
0x43: {  	_ =	shalt  }
0x44: {  	_ =	shalt  }
0x45: {  	_ =	shalt  }
0x46: {  	_ =	shalt  }
0x47: {  	_ =	shalt  }
0x48: {  	_ =	shalt  }
0x49: {  	_ =	shalt  }
0x4a: {  	_ =	shalt  }
0x4b: {  	_ =	shalt  }
0x4c: {  	_ =	shalt  }
0x4d: {  	_ =	shalt  }
0x4e: {  	_ =	shalt  }
0x4f: {  	_ =	shalt  }
0x50: {  	_ =	shalt  }
0x51: {  	_ =	shalt  }
0x52: {  	_ =	shalt  }
0x53: {  	_ =	shalt  }
0x54: {  	_ =	shalt  }
0x55: {  	_ =	shalt  }
0x56: {  	_ =	shalt  }
0x57: {  	_ =	shalt  }
0x58: {  	_ =	shalt  }
0x59: {  	_ =	shalt  }
0x5a: {  	_ =	shalt  }
0x5b: {  	_ =	shalt  }
0x5c: {  	_ =	shalt  }
0x5d: {  	_ =	shalt  }
0x5e: {  	_ =	shalt  }
0x5f: {  	_ =	shalt  }
0x60: {  	_ =	shalt  }
0x61: {  	_ =	shalt  }
0x62: {  	_ =	shalt  }
0x63: {  	_ =	shalt  }
0x64: {  	_ =	shalt  }
0x65: {  	_ =	shalt  }
0x66: {  	_ =	shalt  }
0x67: {  	_ =	shalt  }
0x68: {  	_ =	shalt  }
0x69: {  	_ =	shalt  }
0x6a: {  	_ =	shalt  }
0x6b: {  	_ =	shalt  }
0x6c: {  	_ =	shalt  }
0x6d: {  	_ =	shalt  }
0x6e: {  	_ =	shalt  }
0x6f: {  	_ =	shalt  }
0x70: {  	_ =	shalt  }
0x71: {  	_ =	shalt  }
0x72: {  	_ =	shalt  }
0x73: {  	_ =	shalt  }
0x74: {  	_ =	shalt  }
0x75: {  	_ =	shalt  }
0x76: {  	_ =	shalt  }
0x77: {  	_ =	shalt  }
0x78: {  	_ =	shalt  }
0x79: {  	_ =	shalt  }
0x7a: {  	_ =	shalt  }
0x7b: {  	_ =	shalt  }
0x7c: {  	_ =	shalt  }
0x7d: {  	_ =	shalt  }
0x7e: {  	_ =	shalt  }
0x7f: {  	_ =	shalt  }
0x80: {  	_ =	shalt  }
0x81: {  	_ =	shalt  }
0x82: {  	_ =	shalt  }
0x83: {  	_ =	shalt  }
0x84: {  	_ =	shalt  }
0x85: {  	_ =	shalt  }
0x86: {  	_ =	shalt  }
0x87: {  	_ =	shalt  }
.Lfunc_end0:
.L_simem_size_0:
called_computation.1_lowered:
.L_overlay_start_0:
0x88: {  	s2 =	sld [smem:$0x3FD9]  }
0x89: {  	s3 =	sld [smem:$0x3FFE];
	_ =	sdelay $0x1  }
0x8a: {  	s1 =	srdreg.scid  }
0x8b: {  	s0 =	sand.u32 $0x1, s1  }
0x8c: {  	s17 =	sshll.u32 s0, $0xA;
	s2 =	sadd.s32 s3, s2  }
0x8d: {  	s2 =	sadd.s32 s2, s17  }
0x8e: {  	[smem:$0x3FC6] =	sst s2  }
0x8f: {  	_ = 	snop  }
0x90: {  	s2 =	sld [smem:$0x3FD0];
	(tm) =	ssettm $0x1  }
0x91: {  	s18 =	sld [smem:$0x3FFB];
	_ =	sdelay $0x3  }
0x92: {  	_ =	strace s18  }
0x93: {  	s3 =	sld [smem:$0x3FFC];
	_ =	sdelay $0x3  }
0x94: {  	_ =	strace s3  }
0x95: {  	s3 =	sld [smem:$0x3FFD];
	_ =	sdelay $0x3  }
0x96: {  	_ =	strace s3  }
0x97: {  	_ =	strace $0x8FFFFFFF  }
0x98: {  	s19 =	sld [smem:$0x3FDB];
	_ =	sdelay $0x1  }
0x99: {  	s4 =	simm.s32 $_scs_section_size  }
0x9a: {  	s5 =	simm.s32 $_size__tile_overlayer_lowered;
	s6 =	simm.s32 $_tile_overlayer_lowered  }
0x9b: {  	s22 =	simm.s32 $0x1BFF;
	s21 =	sshll.u32 s6, $0x1;
	s3 =	sadd.s32 s4, s19  }
0x9c: {  	s7 =	simm.s32 $0x0;
	s20 =	sshll.u32 s5, $0x1;
	s5 =	sadd.s32 s21, s3  }
0x9d: {  	[timem:s7], [sflag:s22] =	dma.local [hbm:s5], s20  }
0x9e: {  	_ =	swait.ge [sflag:s22], s20  }
0x9f: {  	s4 =	ssub.s32 $0x0, s20;
	[sflag:s22] =	ssyncset.done $0x0  }
0xa0: {  	[sflag:s22] =	ssyncadd.s32 s4;
	_ =	sdelay $0x1  }
0xa1: {  	s23 =	simm.s32 $0x1B8B  }
0xa2: {  	_ =	swait.ge [sflag:s23], $0x1  }
0xa3: {  	[sflag:s23] =	ssyncset.done $0x0  }
0xa4: {  	s25 =	simm.s32 $0x1B8E;
	s24 =	sld [smem:$0x3FFE];
	[sflag:s23] =	ssyncadd.s32 $0xFFFFFFFF  }
0xa5: {  	s26 =	simm.s32 $execute0_lowered;
	[smem:$0x3FD2] =	sst s25  }
0xa6: {  	s5 =	sshll.u32 s26, $0x1;
	_ =	strace $0x80000046;
	[dreg:$0x1] =	wrdreg $0xFFFFFFFF  }
0xa7: {  	s28 =	simm.s32 $_size_execute0_lowered;
	s3 =	sadd.s32 s3, s5;
	[dreg:$0x0] =	wrdreg $0x0  }
0xa8: {  	s5 =	sshll.u32 s28, $0x1;
	[dreg:$0x2] =	wrdreg s3  }
0xa9: {  	[dreg:$0x3] =	wrdreg s5  }
0xaa: {  	[dreg:$0x4] =	wrdreg $0xC0  }
0xab: {  	_ =	task [dreg:s7], $0x5FFFF  }
0xac: {  	[dreg:$0x1] =	wrdreg $0xFFFFFFFF  }
0xad: {  	[dreg:$0x0] =	wrdreg $0x60  }
0xae: {  	[dreg:$0x2] =	wrdreg s2  }
0xaf: {  	[dreg:$0x3] =	wrdreg s24  }
0xb0: {  	[dreg:$0x4] =	wrdreg $0x9  }
0xb1: {  	_ =	task.clear_ibuf [dreg:s7], $0x5FFFF;
	_ =	strace $0x90000046  }
0xb2: {  	s29 =	simm.s32 $0x9;
	_ =	strace $0x80000048  }
0xb3: {  	_ =	swait.ge [sflag:s29], $0x1  }
0xb4: {  	[sflag:s29] =	ssyncadd.s32 $0xFFFFFFFF  }
0xb5: {  	_ =	strace $0x90000048  }
0xb6: {  	_ =	sfence  }
0xb7: {  	s30 =	sld [smem:$0x0];
	_ =	sdelay $0x2  }
0xb8: {  	s31 =	sshll.u32 s1, $0xD;
	s1 =	sshrl.u32 s1, $0x2  }
0xb9: {  	s3 =	sand.u32 $0x4000, s31;
	s1 =	sadd.s32 s1, s30  }
0xba: {  	s0 =	sor.u32 s3, s0;
	s1 =	sshll.u32 s1, $0x11  }
0xbb: {  	s0 =	sor.u32 s1, s0  }
0xbc: {  	s0 =	sadd.s32 $0x8F2B, s0  }
0xbd: {  	[sflag:s0] =	ssyncadd.remote.s32 $0x1  }
0xbe: {  	_ =	sfence.sel $0xFFFF  }
0xbf: {  	[dreg:$0x0] =	wrdreg $0xFFFFFFFF;
	(pc) =	sbr.abs _section_cstart, $3  }
0xc0: {  	[dreg:$0x1] =	wrdreg $0xFFFFFFFF  }
0xc1: {  	_ =	task.clear_ibuf [dreg:s7], $0x2FFFF;
	_ =	strace $0x9FFFFFFF  }
0xc2: {  	(tm) =	ssettm $0x7FFFFFFF  }
0xc3: {  	_ =	shalt  }
tec
execute0_lowered:
.L_overlay_start_1:
0x0: {  	(tag) =	ssettag $0x1  }
0x1: {  	s1 =	rddreg [dreg:$0x0]  }
0x2: {  	s0 =	rddreg [dreg:$0x1]  }
0x3: {  	s3 =	simm.s32 $0x0;
	s2 =	srdreg.scid;
	s4 =	stileid.u32  }
0x4: {  	s10 =	simm.s32 $0x2;
	s11 =	simm.s32 $0x40;
	s15 =	simm.s32 $0x1A00  }
0x5: {  	s16 =	simm.s32 $0x180;
	s17 =	simm.s32 $0x3200;
	s18 =	simm.s32 $0x1C0  }
0x6: {  	s19 =	simm.s32 $0x4A00;
	s20 =	simm.s32 $0x1;
	s21 =	simm.s32 $0x80  }
0x7: {  	s22 =	simm.s32 $0xC0;
	s23 =	simm.s32 $0x6200;
	s7 =	sshrl.u32 s4, $0x2  }
0x8: {  	s2 =	sand.u32 $0x1, s2;
	s26 =	sshll.u32 s4, $0x1;
	s9 =	smul.u32 $0xFFFFFE80, s7  }
0x9: {  	[smem:$0x7FF] =	sst s3;
	s3 =	sor.u32 s2, s26;
	s31 =	smul.u32 $0x24000, s7  }
0xa: {  	s4 =	sadd.s32 $0x12C00, s0;
	s2 =	ssub.s32 $0x2, s2;
	s3 =	smul.u32 $0x30, s3  }
0xb: {  	s5 =	sadd.s32 $0xC00, s0;
	_ =	strace $0x80000047;
	s8 =	sshrl.u32 s2, $0x1  }
0xc: {  	v1 =	vlaneseq.u32;
	s29 =	ssub.s32 s2, s8;
	[dreg:$0x4] =	wrdreg s31;
	s30 =	sadd.s32 s9, s3  }
0xd: {  	s6 =	sadd.s32 $0x24C00, s0;
	v2 =	vor.u32 $0x10, v1;
	s0 =	smax.u32 s29, $0x1;
	[dreg:$0x3] =	wrdreg s30  }
0xe: {  	s28 =	simm.s32 $0x0;
	v3 =	vor.u32 $0x20, v1;
	v4 =	vor.u32 $0x30, v1;
	v0 =	vmov s31;
	s2 =	simm.s32 $0x0;
	[dreg:$0x5] =	wrdreg s0  }
.LBB2_1:
0xf: {  	[dreg:$0x6] =	wrdreg s2;
	s2 =	simm.s32 $0x0  }
.LBB2_2:
0x10: {  	s0 =	rddreg [dreg:$0x3]  }
0x11: {  	s0 =	sadd.s32 s2, s0  }
0x12: {  	v5 =	vmov s0  }
0x13: {  	s0 =	smul.u32 $0x180, s0;
	v5 =	vcvt.s32.f32 v5  }
0x14: {  	s31 =	rddreg [dreg:$0x4]  }
0x15: {  	[dreg:$0x7] =	wrdreg s2;
	s29 =	simm.s32 $0x0;
	s26 =	sadd.s32 s31, s0;
	v5 =	vbroadcast v5, $0x0  }
.LBB2_3:
0x16: {  	s0 =	sshll.u32 s29, $0x6  }
0x17: {  	s30 =	sadd.s32 s0, s26  }
0x18: {  	s2 =	sshrl.u32 s30, $0x3  }
0x19: {  	s3 =	sadd.s32 s4, s2  }
0x1a: {  	[tilespmem:s28], [sflag:$0x2] =	stream.linear.gather [hbm4b:s3+s28], $0x40, $0x38;
	[tilespmem:$0x7A00] =	vst v63  }
0x1b: {  	_ =	swait.ge [sflag:s10], $0x40  }
0x1c: {  	[sflag:s10] =	ssyncset.done $0x0  }
0x1d: {  	s2 =	sadd.s32 s5, s2;
	[sflag:s10] =	ssyncadd.s32 $0xFFFFFFC0  }
0x1e: {  	[tilespmem:s11], [sflag:$0x2] =	stream.linear.gather [hbm4b:s2+s28], $0x40, $0x38;
	[tilespmem:$0x7A00] =	vst v63  }
0x1f: {  	_ =	swait.ge [sflag:s10], $0x40  }
0x20: {  	[sflag:s10] =	ssyncset.done $0x0  }
0x21: {  	[sflag:s10] =	ssyncadd.s32 $0xFFFFFFC0  }
0x22: {  	v6 =	vld [tilespmem:$0x0];
	_ =	sdelay $0x1  }
0x23: {  	v7 =	vor.u32 s0, v1  }
0x24: {  	v7 =	vcvt.s32.f32 v7;
	v8 =	vld [tilespmem:$0x40];
	_ =	sdelay $0x1  }
0x25: {  	v6 =	vadd.f32 v7, v6;
	_ =	sdelay $0x1  }
0x26: {  	v6 =	vmax.f32 v6, $0.0e+00  }
0x27: {  	v7 =	vadd.f32 v8, v5;
	v8 =	vld [tilespmem:$0x10];
	v6 =	vmin.f32 v6, $3.830000000e+02  }
0x28: {  	v9 =	vtrunc.f32 v6  }
0x29: {  	v10 =	vor.u32 s0, v2;
	v16 =	vor.u32 s0, v3;
	v15 =	vld [tilespmem:$0x60];
	v9 =	vcvt.f32.s32 v9  }
0x2a: {  	v56 =	vor.u32 s0, v4;
	v10 =	vcvt.s32.f32 v10;
	v16 =	vcvt.s32.f32 v16;
	v12 =	vld [tilespmem:$0x50]  }
0x2b: {  	v57 =	vcvt.s32.f32 v56;
	v50 =	vld [tilespmem:$0x70];
	v7 =	vmax.f32 v7, $0.0e+00;
	vm0 =	vlt.s32 v9, $0x17E  }
0x2c: {  	v7 =	vmin.f32 v7, $3.830000000e+02;
	v8 =	vadd.f32 v10, v8;
	v9 =	vnsel vm0, $0x17E, v9  }
0x2d: {  	v11 =	vtrunc.f32 v7;
	v10 =	vcvt.s32.f32 v9  }
0x2e: {  	v15 =	vadd.f32 v15, v5;
	v11 =	vcvt.f32.s32 v11;
	v8 =	vmax.f32 v8, $0.0e+00  }
0x2f: {  	v8 =	vmin.f32 v8, $3.830000000e+02;
	v6 =	vsub.f32 v6, v10;
	v10 =	vadd.f32 v12, v5  }
0x30: {  	v59 =	vadd.f32 v50, v5;
	vm9 =	vlt.s32 v11, $0x17E;
	v13 =	vtrunc.f32 v8  }
0x31: {  	v11 =	vnsel vm9, $0x17E, v11;
	v13 =	vcvt.f32.s32 v13;
	v10 =	vmax.f32 v10, $0.0e+00  }
0x32: {  	v46 =	vld [tilespmem:$0x20];
	v45 =	vcvt.s32.f32 v11;
	v11 =	vmul.u32 $0x180, v11;
	v10 =	vmin.f32 v10, $3.830000000e+02  }
0x33: {  	v9 =	vadd.s32 v0, v9;
	vm10 =	vlt.s32 v13, $0x17E;
	v14 =	vtrunc.f32 v10  }
0x34: {  	v54 =	vld [tilespmem:$0x30];
	v9 =	vadd.s32 v11, v9;
	v13 =	vnsel vm10, $0x17E, v13;
	v14 =	vcvt.f32.s32 v14  }
0x35: {  	v7 =	vsub.f32 v7, v45;
	v17 =	vadd.s32 $0x1, v9;
	v11 =	vcvt.s32.f32 v13  }
0x36: {  	v47 =	vadd.s32 $0x180, v9;
	v18 =	vadd.s32 $0x181, v9;
	vm11 =	vlt.s32 v14, $0x17E  }
0x37: {  	v8 =	vsub.f32 v8, v11;
	v11 =	vadd.f32 v16, v46;
	v14 =	vnsel vm11, $0x17E, v14  }
0x38: {  	v6 =	vmin.f32 v6, $1.000000000e+00;
	v51 =	vadd.s32 v0, v13;
	v48 =	vcvt.s32.f32 v14  }
0x39: {  	[tilespmem:$0x100] =	vst v9;
	v13 =	vadd.f32 v57, v54;
	v11 =	vmax.f32 v11, $0.0e+00;
	v14 =	vmul.u32 $0x180, v14  }
0x3a: {  	[tilespmem:$0x140] =	vst v17;
	v9 =	vsub.f32 v10, v48;
	v10 =	vmin.f32 v11, $3.830000000e+02;
	v11 =	vmax.f32 v15, $0.0e+00  }
0x3b: {  	v7 =	vmin.f32 v7, $1.000000000e+00;
	[tilespmem:$0x180] =	vst v47;
	v62 =	vmax.f32 v13, $0.0e+00;
	v11 =	vmin.f32 v11, $3.830000000e+02  }
0x3c: {  	[tilespmem:$0x1C0] =	vst v18;
	v8 =	vmin.f32 v8, $1.000000000e+00;
	v12 =	vadd.s32 v14, v51;
	v53 =	vtrunc.f32 v11  }
0x3d: {  	[tilespmem:$0x80] =	vst v6;
	v15 =	vmax.f32 v59, $0.0e+00;
	v49 =	vtrunc.f32 v10;
	v55 =	vcvt.f32.s32 v53  }
0x3e: {  	[tilespmem:$0xC0] =	vst v7;
	v6 =	vadd.s32 $0x1, v12;
	v58 =	vadd.s32 $0x180, v12;
	v52 =	vcvt.f32.s32 v49  }
0x3f: {  	[tilespmem:$0x110] =	vst v12;
	v12 =	vadd.s32 $0x181, v12;
	v63 =	vmin.f32 v15, $3.830000000e+02;
	vm13 =	vlt.s32 v55, $0x17E  }
0x40: {  	v9 =	vmin.f32 v9, $1.000000000e+00;
	[tilespmem:$0x150] =	vst v6;
	vm12 =	vlt.s32 v52, $0x17E;
	v6 =	vnsel vm13, $0x17E, v55  }
0x41: {  	[tilespmem:$0x90] =	vst v8;
	v7 =	vnsel vm12, $0x17E, v52;
	v61 =	vcvt.s32.f32 v6;
	v6 =	vmul.u32 $0x180, v6  }
0x42: {  	[tilespmem:$0x190] =	vst v58;
	v8 =	vtrunc.f32 v63;
	v60 =	vcvt.s32.f32 v7;
	v7 =	vadd.s32 v0, v7  }
0x43: {  	[tilespmem:$0x1D0] =	vst v12;
	v8 =	vcvt.f32.s32 v8;
	v6 =	vadd.s32 v6, v7;
	v7 =	vmin.f32 v62, $3.830000000e+02  }
0x44: {  	[tilespmem:$0xD0] =	vst v9;
	v12 =	vtrunc.f32 v7  }
0x45: {  	vm14 =	vlt.s32 v8, $0x17E;
	v9 =	vadd.s32 $0x1, v6;
	[tilespmem:$0x120] =	vst v6;
	v12 =	vcvt.f32.s32 v12  }
0x46: {  	v8 =	vnsel vm14, $0x17E, v8;
	v10 =	vsub.f32 v10, v60;
	[tilespmem:$0x160] =	vst v9;
	v9 =	vadd.s32 $0x180, v6  }
0x47: {  	v11 =	vsub.f32 v11, v61;
	v6 =	vadd.s32 $0x181, v6;
	[tilespmem:$0x1A0] =	vst v9;
	vm15 =	vlt.s32 v12, $0x17E  }
0x48: {  	[tilespmem:$0x1E0] =	vst v6;
	v6 =	vmin.f32 v10, $1.000000000e+00;
	v10 =	vmul.u32 $0x180, v8;
	v9 =	vnsel vm15, $0x17E, v12  }
0x49: {  	v11 =	vmin.f32 v11, $1.000000000e+00;
	[tilespmem:$0xA0] =	vst v6;
	v6 =	vadd.s32 v0, v9  }
0x4a: {  	[tilespmem:$0xE0] =	vst v11;
	v8 =	vcvt.s32.f32 v8;
	v9 =	vcvt.s32.f32 v9;
	v6 =	vadd.s32 v10, v6  }
0x4b: {  	[tilespmem:$0x130] =	vst v6;
	v10 =	vadd.s32 $0x1, v6  }
0x4c: {  	v8 =	vsub.f32 v63, v8;
	v7 =	vsub.f32 v7, v9;
	v9 =	vadd.s32 $0x180, v6;
	[tilespmem:$0x170] =	vst v10  }
0x4d: {  	v6 =	vadd.s32 $0x181, v6;
	[tilespmem:$0x1B0] =	vst v9  }
0x4e: {  	[tilespmem:$0x1F0] =	vst v6;
	v6 =	vmin.f32 v8, $1.000000000e+00  }
0x4f: {  	v7 =	vmin.f32 v7, $1.000000000e+00;
	[tilespmem:$0xF0] =	vst v6  }
0x50: {  	s13 =	simm.s32 $0x100;
	s14 =	simm.s32 $0x200;
	[tilespmem:$0xB0] =	vst v7  }
0x51: {  	[tilespmem:s14], [sflag:$0x1] =	stream.indirect.gather [hbm4b:s1+s11], $0x60, s13, s11, $0xb8;
	[tilespmem:$0x7A00] =	vst v63  }
0x52: {  	s24 =	simm.s32 $0x140  }
0x53: {  	[tilespmem:s15], [sflag:$0x1] =	stream.indirect.gather [hbm4b:s1+s11], $0x60, s24, s11, $0xb8;
	[tilespmem:$0x7A00] =	vst v63  }
0x54: {  	_ = 	snop  }
0x55: {  	[tilespmem:s17], [sflag:$0x1] =	stream.indirect.gather [hbm4b:s1+s11], $0x60, s16, s11, $0xb8;
	[tilespmem:$0x7A00] =	vst v63  }
0x56: {  	_ = 	snop  }
0x57: {  	[tilespmem:s19], [sflag:$0x1] =	stream.indirect.gather [hbm4b:s1+s11], $0x60, s18, s11, $0xb8;
	[tilespmem:$0x7A00] =	vst v63  }
0x58: {  	_ =	swait.ge [sflag:s20], $0x1800  }
0x59: {  	[sflag:s20] =	ssyncset.done $0x0  }
0x5a: {  	[sflag:s20] =	ssyncadd.s32 $0xFFFFE800  }
0x5b: {  	_ =	swait.ge [sflag:s20], $0x1800  }
0x5c: {  	[sflag:s20] =	ssyncset.done $0x0  }
0x5d: {  	[sflag:s20] =	ssyncadd.s32 $0xFFFFE800  }
0x5e: {  	_ =	swait.ge [sflag:s20], $0x1800  }
0x5f: {  	[sflag:s20] =	ssyncset.done $0x0  }
0x60: {  	[sflag:s20] =	ssyncadd.s32 $0xFFFFE800  }
0x61: {  	v6 =	vmov s28;
	_ =	swait.ge [sflag:s20], $0x1800  }
0x62: {  	v6 =	vand.u32 $0xFFFFFFFE, v6;
	[sflag:s20] =	ssyncset.done $0x0  }
0x63: {  	s31 =	simm.s32 $0x4A60;
	v6 =	vbroadcast v6, $0x0;
	[sflag:s20] =	ssyncadd.s32 $0xFFFFE800  }
0x64: {  	s2 =	simm.s32 $0x3260;
	v7 =	vld [tilespmem:s31+$0xFFFFFFA0]  }
0x65: {  	s9 =	simm.s32 $0x1A60;
	v8 =	vld [tilespmem:s2+$0xFFFFFFA0]  }
0x66: {  	s24 =	simm.s32 $0x260;
	v9 =	vld [tilespmem:s9+$0xFFFFFFA0]  }
0x67: {  	v10 =	vld [tilespmem:s24+$0xFFFFFFA0];
	_ =	sdelay $0x1  }
0x68: {  	v11 =	vld.idx.msk [tilespmem:v6+s21+$0x0], $0xffff;
	_ =	sdelay $0x2  }
0x69: {  	v9 =	vsub.f32 v9, v10;
	v7 =	vsub.f32 v7, v8;
	_ =	sdelay $0x1  }
0x6a: {  	v9 =	vmul.f32 v9, v11;
	v7 =	vmul.f32 v7, v11  }
0x6b: {  	v6 =	vld.idx.msk [tilespmem:v6+s22+$0x0], $0xffff  }
0x6c: {  	v9 =	vadd.f32 v9, v10;
	v7 =	vadd.f32 v7, v8;
	_ =	sdelay $0x1  }
0x6d: {  	v7 =	vsub.f32 v7, v9;
	_ =	sdelay $0x1  }
0x6e: {  	v7 =	vmul.f32 v7, v6;
	_ =	sdelay $0x1  }
0x6f: {  	v7 =	vadd.f32 v7, v9  }
0x70: {  	s0 =	simm.s32 $0x6260  }
0x71: {  	[tilespmem:s0+$0xFFFFFFA0] =	vst v7  }
0x72: {  	v7 =	vld [tilespmem:s31+$0xFFFFFFB0]  }
0x73: {  	v8 =	vld [tilespmem:s24+$0xFFFFFFB0]  }
0x74: {  	v9 =	vld [tilespmem:s2+$0xFFFFFFB0]  }
0x75: {  	v10 =	vld [tilespmem:s9+$0xFFFFFFB0];
	_ =	sdelay $0x4  }
0x76: {  	v7 =	vsub.f32 v7, v9;
	v10 =	vsub.f32 v10, v8;
	_ =	sdelay $0x1  }
0x77: {  	v7 =	vmul.f32 v7, v11;
	v10 =	vmul.f32 v10, v11;
	_ =	sdelay $0x1  }
0x78: {  	v7 =	vadd.f32 v7, v9;
	v8 =	vadd.f32 v10, v8;
	_ =	sdelay $0x1  }
0x79: {  	v7 =	vsub.f32 v7, v8;
	_ =	sdelay $0x1  }
0x7a: {  	v7 =	vmul.f32 v7, v6;
	_ =	sdelay $0x1  }
0x7b: {  	v7 =	vadd.f32 v7, v8;
	_ =	sdelay $0x1  }
0x7c: {  	[tilespmem:s0+$0xFFFFFFB0] =	vst v7  }
0x7d: {  	v7 =	vld [tilespmem:s31+$0xFFFFFFC0]  }
0x7e: {  	v8 =	vld [tilespmem:s9+$0xFFFFFFC0]  }
0x7f: {  	v9 =	vld [tilespmem:s24+$0xFFFFFFC0]  }
0x80: {  	v10 =	vld [tilespmem:s2+$0xFFFFFFC0];
	_ =	sdelay $0x4  }
0x81: {  	v8 =	vsub.f32 v8, v9;
	v7 =	vsub.f32 v7, v10;
	_ =	sdelay $0x1  }
0x82: {  	v8 =	vmul.f32 v8, v11;
	v7 =	vmul.f32 v7, v11;
	_ =	sdelay $0x1  }
0x83: {  	v8 =	vadd.f32 v8, v9;
	v7 =	vadd.f32 v7, v10;
	_ =	sdelay $0x1  }
0x84: {  	v7 =	vsub.f32 v7, v8;
	_ =	sdelay $0x1  }
0x85: {  	v7 =	vmul.f32 v7, v6;
	_ =	sdelay $0x1  }
0x86: {  	v7 =	vadd.f32 v7, v8;
	_ =	sdelay $0x1  }
0x87: {  	[tilespmem:s0+$0xFFFFFFC0] =	vst v7  }
0x88: {  	v7 =	vld [tilespmem:s2+$0xFFFFFFD0]  }
0x89: {  	v8 =	vld [tilespmem:s9+$0xFFFFFFD0]  }
0x8a: {  	v9 =	vld [tilespmem:s24+$0xFFFFFFD0]  }
0x8b: {  	v10 =	vld [tilespmem:s31+$0xFFFFFFD0];
	_ =	sdelay $0x4  }
0x8c: {  	v8 =	vsub.f32 v8, v9;
	v10 =	vsub.f32 v10, v7;
	_ =	sdelay $0x1  }
0x8d: {  	v8 =	vmul.f32 v8, v11;
	v10 =	vmul.f32 v10, v11;
	_ =	sdelay $0x1  }
0x8e: {  	v8 =	vadd.f32 v8, v9;
	v7 =	vadd.f32 v10, v7;
	_ =	sdelay $0x1  }
0x8f: {  	v7 =	vsub.f32 v7, v8;
	_ =	sdelay $0x1  }
0x90: {  	v7 =	vmul.f32 v7, v6;
	_ =	sdelay $0x1  }
0x91: {  	v7 =	vadd.f32 v7, v8;
	_ =	sdelay $0x1  }
0x92: {  	[tilespmem:s0+$0xFFFFFFD0] =	vst v7  }
0x93: {  	v7 =	vld [tilespmem:s2+$0xFFFFFFE0]  }
0x94: {  	v8 =	vld [tilespmem:s9+$0xFFFFFFE0]  }
0x95: {  	v9 =	vld [tilespmem:s24+$0xFFFFFFE0]  }
0x96: {  	v10 =	vld [tilespmem:s31+$0xFFFFFFE0];
	_ =	sdelay $0x4  }
0x97: {  	v8 =	vsub.f32 v8, v9;
	v10 =	vsub.f32 v10, v7;
	_ =	sdelay $0x1  }
0x98: {  	v8 =	vmul.f32 v8, v11;
	v10 =	vmul.f32 v10, v11;
	_ =	sdelay $0x1  }
0x99: {  	v8 =	vadd.f32 v8, v9;
	v7 =	vadd.f32 v10, v7;
	_ =	sdelay $0x1  }
0x9a: {  	v7 =	vsub.f32 v7, v8;
	_ =	sdelay $0x1  }
0x9b: {  	v7 =	vmul.f32 v7, v6;
	_ =	sdelay $0x1  }
0x9c: {  	v7 =	vadd.f32 v7, v8;
	_ =	sdelay $0x1  }
0x9d: {  	[tilespmem:s0+$0xFFFFFFE0] =	vst v7  }
0x9e: {  	v7 =	vld [tilespmem:s31+$0xFFFFFFF0]  }
0x9f: {  	v8 =	vld [tilespmem:s24+$0xFFFFFFF0]  }
0xa0: {  	v9 =	vld [tilespmem:s2+$0xFFFFFFF0]  }
0xa1: {  	v10 =	vld [tilespmem:s9+$0xFFFFFFF0];
	_ =	sdelay $0x4  }
0xa2: {  	v7 =	vsub.f32 v7, v9;
	v10 =	vsub.f32 v10, v8;
	_ =	sdelay $0x1  }
0xa3: {  	v7 =	vmul.f32 v7, v11;
	v10 =	vmul.f32 v10, v11;
	_ =	sdelay $0x1  }
0xa4: {  	v7 =	vadd.f32 v7, v9;
	v8 =	vadd.f32 v10, v8;
	_ =	sdelay $0x1  }
0xa5: {  	v7 =	vsub.f32 v7, v8;
	_ =	sdelay $0x1  }
0xa6: {  	v6 =	vmul.f32 v7, v6;
	_ =	sdelay $0x1  }
0xa7: {  	v6 =	vadd.f32 v6, v8;
	_ =	sdelay $0x1  }
0xa8: {  	s25 =	simm.s32 $0x1;
	[tilespmem:s0+$0xFFFFFFF0] =	vst v6  }
0xa9: {  	v7 =	vmov s25;
	v8 =	vld [tilespmem:s31+$0x0]  }
0xaa: {  	v9 =	vld [tilespmem:s2+$0x0]  }
0xab: {  	v10 =	vld [tilespmem:s9+$0x0]  }
0xac: {  	v11 =	vld [tilespmem:s24+$0x0];
	_ =	sdelay $0x1  }
0xad: {  	v6 =	vld.idx.msk [tilespmem:v7+s21+$0x0], $0xffff;
	_ =	sdelay $0x2  }
0xae: {  	v8 =	vsub.f32 v8, v9;
	v10 =	vsub.f32 v10, v11;
	_ =	sdelay $0x1  }
0xaf: {  	v8 =	vmul.f32 v8, v6;
	v10 =	vmul.f32 v10, v6  }
0xb0: {  	v7 =	vld.idx.msk [tilespmem:v7+s22+$0x0], $0xffff  }
0xb1: {  	v8 =	vadd.f32 v8, v9;
	v9 =	vadd.f32 v10, v11;
	_ =	sdelay $0x1  }
0xb2: {  	v8 =	vsub.f32 v8, v9;
	_ =	sdelay $0x1  }
0xb3: {  	v8 =	vmul.f32 v8, v7;
	_ =	sdelay $0x1  }
0xb4: {  	v8 =	vadd.f32 v8, v9;
	_ =	sdelay $0x1  }
0xb5: {  	[tilespmem:s0+$0x0] =	vst v8  }
0xb6: {  	v8 =	vld [tilespmem:s9+$0x10]  }
0xb7: {  	v9 =	vld [tilespmem:s2+$0x10]  }
0xb8: {  	v10 =	vld [tilespmem:s31+$0x10]  }
0xb9: {  	v11 =	vld [tilespmem:s24+$0x10];
	_ =	sdelay $0x4  }
0xba: {  	v10 =	vsub.f32 v10, v9;
	v8 =	vsub.f32 v8, v11;
	_ =	sdelay $0x1  }
0xbb: {  	v10 =	vmul.f32 v10, v6;
	v8 =	vmul.f32 v8, v6;
	_ =	sdelay $0x1  }
0xbc: {  	v9 =	vadd.f32 v10, v9;
	v8 =	vadd.f32 v8, v11;
	_ =	sdelay $0x1  }
0xbd: {  	v9 =	vsub.f32 v9, v8;
	_ =	sdelay $0x1  }
0xbe: {  	v9 =	vmul.f32 v9, v7;
	_ =	sdelay $0x1  }
0xbf: {  	v8 =	vadd.f32 v9, v8;
	_ =	sdelay $0x1  }
0xc0: {  	[tilespmem:s0+$0x10] =	vst v8  }
0xc1: {  	v8 =	vld [tilespmem:s9+$0x20]  }
0xc2: {  	v9 =	vld [tilespmem:s31+$0x20]  }
0xc3: {  	v10 =	vld [tilespmem:s2+$0x20]  }
0xc4: {  	v11 =	vld [tilespmem:s24+$0x20];
	_ =	sdelay $0x4  }
0xc5: {  	v9 =	vsub.f32 v9, v10;
	v8 =	vsub.f32 v8, v11;
	_ =	sdelay $0x1  }
0xc6: {  	v9 =	vmul.f32 v9, v6;
	v8 =	vmul.f32 v8, v6;
	_ =	sdelay $0x1  }
0xc7: {  	v9 =	vadd.f32 v9, v10;
	v8 =	vadd.f32 v8, v11;
	_ =	sdelay $0x1  }
0xc8: {  	v9 =	vsub.f32 v9, v8;
	_ =	sdelay $0x1  }
0xc9: {  	v9 =	vmul.f32 v9, v7;
	_ =	sdelay $0x1  }
0xca: {  	v8 =	vadd.f32 v9, v8;
	_ =	sdelay $0x1  }
0xcb: {  	[tilespmem:s0+$0x20] =	vst v8  }
0xcc: {  	v8 =	vld [tilespmem:s9+$0x30]  }
0xcd: {  	v9 =	vld [tilespmem:s31+$0x30]  }
0xce: {  	v10 =	vld [tilespmem:s2+$0x30]  }
0xcf: {  	v11 =	vld [tilespmem:s24+$0x30];
	_ =	sdelay $0x4  }
0xd0: {  	v9 =	vsub.f32 v9, v10;
	v8 =	vsub.f32 v8, v11;
	_ =	sdelay $0x1  }
0xd1: {  	v9 =	vmul.f32 v9, v6;
	v8 =	vmul.f32 v8, v6;
	_ =	sdelay $0x1  }
0xd2: {  	v9 =	vadd.f32 v9, v10;
	v8 =	vadd.f32 v8, v11;
	_ =	sdelay $0x1  }
0xd3: {  	v9 =	vsub.f32 v9, v8;
	_ =	sdelay $0x1  }
0xd4: {  	v9 =	vmul.f32 v9, v7;
	_ =	sdelay $0x1  }
0xd5: {  	v8 =	vadd.f32 v9, v8;
	_ =	sdelay $0x1  }
0xd6: {  	[tilespmem:s0+$0x30] =	vst v8  }
0xd7: {  	v8 =	vld [tilespmem:s24+$0x40]  }
0xd8: {  	v11 =	vld [tilespmem:s9+$0x40]  }
0xd9: {  	v9 =	vld [tilespmem:s2+$0x40]  }
0xda: {  	v10 =	vld [tilespmem:s31+$0x40];
	_ =	sdelay $0x1  }
0xdb: {  	s12 =	simm.s32 $0x4B20;
	s7 =	simm.s32 $0x3260;
	s8 =	simm.s32 $0x1A60  }
0xdc: {  	s3 =	simm.s32 $0x2;
	s13 =	simm.s32 $0x6320;
	s25 =	simm.s32 $0x260;
	v11 =	vsub.f32 v11, v8  }
.LBB2_4:
0xdd: {  	s24 =	sadd.s32 $0xC0, s24;
	s9 =	sadd.s32 $0xC0, s9;
	s2 =	sadd.s32 $0xC0, s2  }
0xde: {  	p0 =	slt.u32 s3, $0x3E;
	s14 =	smov.u32 s3;
	s3 =	sadd.s32 $0x2, s3;
	v11 =	vmul.f32 v11, v6;
	v10 =	vsub.f32 v10, v9  }
0xdf: {  	_ = 	snop  }
0xe0: {  	v10 =	vmul.f32 v10, v6;
	_ =	sdelay $0x1  }
0xe1: {  	v8 =	vadd.f32 v11, v8;
	v9 =	vadd.f32 v10, v9;
	_ =	sdelay $0x1  }
0xe2: {  	v9 =	vsub.f32 v9, v8;
	_ =	sdelay $0x1  }
0xe3: {  	v9 =	vmul.f32 v9, v7;
	_ =	sdelay $0x1  }
0xe4: {  	v8 =	vadd.f32 v9, v8;
	_ =	sdelay $0x1  }
0xe5: {  	[tilespmem:s0+$0x40] =	vst v8  }
0xe6: {  	v8 =	vld [tilespmem:s25+$0x50];
	s25 =	smov.u32 s24  }
0xe7: {  	v9 =	vld [tilespmem:s31+$0x50];
	s31 =	smov.u32 s12  }
0xe8: {  	v10 =	vld [tilespmem:s7+$0x50];
	s7 =	smov.u32 s2  }
0xe9: {  	v11 =	vld [tilespmem:s8+$0x50];
	s8 =	smov.u32 s9;
	_ =	sdelay $0x3  }
0xea: {  	v9 =	vsub.f32 v9, v10  }
0xeb: {  	v11 =	vsub.f32 v11, v8  }
0xec: {  	v9 =	vmul.f32 v9, v6  }
0xed: {  	v6 =	vmul.f32 v11, v6  }
0xee: {  	v9 =	vadd.f32 v9, v10  }
0xef: {  	v6 =	vadd.f32 v6, v8;
	_ =	sdelay $0x1  }
0xf0: {  	v8 =	vsub.f32 v9, v6;
	_ =	sdelay $0x1  }
0xf1: {  	v7 =	vmul.f32 v8, v7  }
0xf2: {  	v8 =	vmov s14  }
0xf3: {  	v8 =	vand.u32 $0xFFFFFFFE, v8;
	v6 =	vadd.f32 v7, v6  }
0xf4: {  	v8 =	vbroadcast v8, $0x0  }
0xf5: {  	[tilespmem:s0+$0x50] =	vst v6;
	s0 =	smov.u32 s13  }
0xf6: {  	v6 =	vld [tilespmem:s12+$0xFFFFFFA0]  }
0xf7: {  	v9 =	vld [tilespmem:s2+$0xFFFFFFA0]  }
0xf8: {  	v10 =	vld [tilespmem:s9+$0xFFFFFFA0]  }
0xf9: {  	v11 =	vld [tilespmem:s24+$0xFFFFFFA0]  }
0xfa: {  	v7 =	vld.idx.msk [tilespmem:v8+s21+$0x0], $0xffff;
	_ =	sdelay $0x3  }
0xfb: {  	v12 =	vsub.f32 v6, v9;
	v10 =	vsub.f32 v10, v11;
	_ =	sdelay $0x1  }
0xfc: {  	v6 =	vld.idx.msk [tilespmem:v8+s22+$0x0], $0xffff;
	v8 =	vmul.f32 v10, v7;
	v10 =	vmul.f32 v12, v7;
	_ =	sdelay $0x1  }
0xfd: {  	v8 =	vadd.f32 v8, v11;
	v9 =	vadd.f32 v10, v9;
	_ =	sdelay $0x1  }
0xfe: {  	v9 =	vsub.f32 v9, v8;
	_ =	sdelay $0x1  }
0xff: {  	v9 =	vmul.f32 v9, v6;
	_ =	sdelay $0x1  }
0x100: {  	v8 =	vadd.f32 v9, v8;
	_ =	sdelay $0x1  }
0x101: {  	[tilespmem:s13+$0xFFFFFFA0] =	vst v8  }
0x102: {  	v8 =	vld [tilespmem:s12+$0xFFFFFFB0]  }
0x103: {  	v9 =	vld [tilespmem:s24+$0xFFFFFFB0]  }
0x104: {  	v10 =	vld [tilespmem:s2+$0xFFFFFFB0]  }
0x105: {  	v11 =	vld [tilespmem:s9+$0xFFFFFFB0];
	_ =	sdelay $0x3  }
0x106: {  	v8 =	vsub.f32 v8, v10  }
0x107: {  	v11 =	vsub.f32 v11, v9  }
0x108: {  	v8 =	vmul.f32 v8, v7  }
0x109: {  	v11 =	vmul.f32 v11, v7  }
0x10a: {  	v8 =	vadd.f32 v8, v10  }
0x10b: {  	v9 =	vadd.f32 v11, v9;
	_ =	sdelay $0x1  }
0x10c: {  	v8 =	vsub.f32 v8, v9;
	_ =	sdelay $0x1  }
0x10d: {  	v8 =	vmul.f32 v8, v6;
	_ =	sdelay $0x1  }
0x10e: {  	v8 =	vadd.f32 v8, v9;
	_ =	sdelay $0x1  }
0x10f: {  	[tilespmem:s13+$0xFFFFFFB0] =	vst v8  }
0x110: {  	v8 =	vld [tilespmem:s12+$0xFFFFFFC0]  }
0x111: {  	v9 =	vld [tilespmem:s9+$0xFFFFFFC0]  }
0x112: {  	v10 =	vld [tilespmem:s24+$0xFFFFFFC0]  }
0x113: {  	v11 =	vld [tilespmem:s2+$0xFFFFFFC0];
	_ =	sdelay $0x3  }
0x114: {  	v9 =	vsub.f32 v9, v10  }
0x115: {  	v8 =	vsub.f32 v8, v11  }
0x116: {  	v9 =	vmul.f32 v9, v7  }
0x117: {  	v8 =	vmul.f32 v8, v7;
	_ =	sdelay $0x1  }
0x118: {  	v9 =	vadd.f32 v9, v10;
	v8 =	vadd.f32 v8, v11;
	_ =	sdelay $0x1  }
0x119: {  	v8 =	vsub.f32 v8, v9;
	_ =	sdelay $0x1  }
0x11a: {  	v8 =	vmul.f32 v8, v6;
	_ =	sdelay $0x1  }
0x11b: {  	v8 =	vadd.f32 v8, v9;
	_ =	sdelay $0x1  }
0x11c: {  	[tilespmem:s13+$0xFFFFFFC0] =	vst v8  }
0x11d: {  	v8 =	vld [tilespmem:s2+$0xFFFFFFD0]  }
0x11e: {  	v9 =	vld [tilespmem:s9+$0xFFFFFFD0]  }
0x11f: {  	v10 =	vld [tilespmem:s24+$0xFFFFFFD0]  }
0x120: {  	v11 =	vld [tilespmem:s12+$0xFFFFFFD0];
	_ =	sdelay $0x3  }
0x121: {  	v9 =	vsub.f32 v9, v10  }
0x122: {  	v11 =	vsub.f32 v11, v8  }
0x123: {  	v9 =	vmul.f32 v9, v7  }
0x124: {  	v11 =	vmul.f32 v11, v7;
	_ =	sdelay $0x1  }
0x125: {  	v9 =	vadd.f32 v9, v10;
	v8 =	vadd.f32 v11, v8;
	_ =	sdelay $0x1  }
0x126: {  	v8 =	vsub.f32 v8, v9;
	_ =	sdelay $0x1  }
0x127: {  	v8 =	vmul.f32 v8, v6;
	_ =	sdelay $0x1  }
0x128: {  	v8 =	vadd.f32 v8, v9;
	_ =	sdelay $0x1  }
0x129: {  	[tilespmem:s13+$0xFFFFFFD0] =	vst v8  }
0x12a: {  	v8 =	vld [tilespmem:s2+$0xFFFFFFE0]  }
0x12b: {  	v9 =	vld [tilespmem:s9+$0xFFFFFFE0]  }
0x12c: {  	v10 =	vld [tilespmem:s24+$0xFFFFFFE0]  }
0x12d: {  	v11 =	vld [tilespmem:s12+$0xFFFFFFE0];
	_ =	sdelay $0x3  }
0x12e: {  	v9 =	vsub.f32 v9, v10  }
0x12f: {  	v11 =	vsub.f32 v11, v8  }
0x130: {  	v9 =	vmul.f32 v9, v7  }
0x131: {  	v11 =	vmul.f32 v11, v7;
	_ =	sdelay $0x1  }
0x132: {  	v9 =	vadd.f32 v9, v10;
	v8 =	vadd.f32 v11, v8;
	_ =	sdelay $0x1  }
0x133: {  	v8 =	vsub.f32 v8, v9;
	_ =	sdelay $0x1  }
0x134: {  	v8 =	vmul.f32 v8, v6;
	_ =	sdelay $0x1  }
0x135: {  	v8 =	vadd.f32 v8, v9;
	_ =	sdelay $0x1  }
0x136: {  	[tilespmem:s13+$0xFFFFFFE0] =	vst v8  }
0x137: {  	v8 =	vld [tilespmem:s12+$0xFFFFFFF0]  }
0x138: {  	v9 =	vld [tilespmem:s24+$0xFFFFFFF0]  }
0x139: {  	v10 =	vld [tilespmem:s2+$0xFFFFFFF0]  }
0x13a: {  	v11 =	vld [tilespmem:s9+$0xFFFFFFF0];
	_ =	sdelay $0x3  }
0x13b: {  	v8 =	vsub.f32 v8, v10  }
0x13c: {  	v11 =	vsub.f32 v11, v9  }
0x13d: {  	v8 =	vmul.f32 v8, v7  }
0x13e: {  	v7 =	vmul.f32 v11, v7  }
0x13f: {  	v8 =	vadd.f32 v8, v10  }
0x140: {  	v7 =	vadd.f32 v7, v9;
	_ =	sdelay $0x1  }
0x141: {  	v8 =	vsub.f32 v8, v7;
	_ =	sdelay $0x1  }
0x142: {  	v6 =	vmul.f32 v8, v6;
	_ =	sdelay $0x1  }
0x143: {  	s14 =	sadd.s32 $0x1, s14;
	v6 =	vadd.f32 v6, v7  }
0x144: {  	v7 =	vmov s14  }
0x145: {  	[tilespmem:s13+$0xFFFFFFF0] =	vst v6  }
0x146: {  	v8 =	vld [tilespmem:s12+$0x0]  }
0x147: {  	v9 =	vld [tilespmem:s2+$0x0]  }
0x148: {  	v10 =	vld [tilespmem:s9+$0x0]  }
0x149: {  	v6 =	vld.idx.msk [tilespmem:v7+s21+$0x0], $0xffff  }
0x14a: {  	v11 =	vld [tilespmem:s24+$0x0];
	_ =	sdelay $0x2  }
0x14b: {  	v8 =	vsub.f32 v8, v9;
	_ =	sdelay $0x1  }
0x14c: {  	v8 =	vmul.f32 v8, v6;
	v10 =	vsub.f32 v10, v11;
	_ =	sdelay $0x1  }
0x14d: {  	v8 =	vadd.f32 v8, v9;
	v7 =	vld.idx.msk [tilespmem:v7+s22+$0x0], $0xffff;
	v10 =	vmul.f32 v10, v6;
	_ =	sdelay $0x1  }
0x14e: {  	v9 =	vadd.f32 v10, v11;
	_ =	sdelay $0x1  }
0x14f: {  	v8 =	vsub.f32 v8, v9;
	_ =	sdelay $0x1  }
0x150: {  	v8 =	vmul.f32 v8, v7;
	_ =	sdelay $0x1  }
0x151: {  	v8 =	vadd.f32 v8, v9;
	_ =	sdelay $0x1  }
0x152: {  	[tilespmem:s13+$0x0] =	vst v8  }
0x153: {  	v8 =	vld [tilespmem:s9+$0x10]  }
0x154: {  	v9 =	vld [tilespmem:s2+$0x10]  }
0x155: {  	v10 =	vld [tilespmem:s12+$0x10]  }
0x156: {  	v11 =	vld [tilespmem:s24+$0x10];
	_ =	sdelay $0x3  }
0x157: {  	v10 =	vsub.f32 v10, v9  }
0x158: {  	v8 =	vsub.f32 v8, v11  }
0x159: {  	v10 =	vmul.f32 v10, v6  }
0x15a: {  	v8 =	vmul.f32 v8, v6  }
0x15b: {  	v9 =	vadd.f32 v10, v9  }
0x15c: {  	v8 =	vadd.f32 v8, v11;
	_ =	sdelay $0x1  }
0x15d: {  	v9 =	vsub.f32 v9, v8;
	_ =	sdelay $0x1  }
0x15e: {  	v9 =	vmul.f32 v9, v7;
	_ =	sdelay $0x1  }
0x15f: {  	v8 =	vadd.f32 v9, v8;
	_ =	sdelay $0x1  }
0x160: {  	[tilespmem:s13+$0x10] =	vst v8  }
0x161: {  	v8 =	vld [tilespmem:s9+$0x20]  }
0x162: {  	v9 =	vld [tilespmem:s12+$0x20]  }
0x163: {  	v10 =	vld [tilespmem:s2+$0x20]  }
0x164: {  	v11 =	vld [tilespmem:s24+$0x20];
	_ =	sdelay $0x3  }
0x165: {  	v9 =	vsub.f32 v9, v10  }
0x166: {  	v8 =	vsub.f32 v8, v11  }
0x167: {  	v9 =	vmul.f32 v9, v6  }
0x168: {  	v8 =	vmul.f32 v8, v6  }
0x169: {  	v9 =	vadd.f32 v9, v10  }
0x16a: {  	v8 =	vadd.f32 v8, v11;
	_ =	sdelay $0x1  }
0x16b: {  	v9 =	vsub.f32 v9, v8;
	_ =	sdelay $0x1  }
0x16c: {  	v9 =	vmul.f32 v9, v7;
	_ =	sdelay $0x1  }
0x16d: {  	v8 =	vadd.f32 v9, v8;
	_ =	sdelay $0x1  }
0x16e: {  	[tilespmem:s13+$0x20] =	vst v8  }
0x16f: {  	v8 =	vld [tilespmem:s9+$0x30]  }
0x170: {  	v9 =	vld [tilespmem:s12+$0x30]  }
0x171: {  	v10 =	vld [tilespmem:s2+$0x30]  }
0x172: {  	v11 =	vld [tilespmem:s24+$0x30];
	_ =	sdelay $0x3  }
0x173: {  	v9 =	vsub.f32 v9, v10  }
0x174: {  	v8 =	vsub.f32 v8, v11  }
0x175: {  	v9 =	vmul.f32 v9, v6  }
0x176: {  	v8 =	vmul.f32 v8, v6  }
0x177: {  	v9 =	vadd.f32 v9, v10  }
0x178: {  	v8 =	vadd.f32 v8, v11;
	_ =	sdelay $0x1  }
0x179: {  	v9 =	vsub.f32 v9, v8;
	_ =	sdelay $0x1  }
0x17a: {  	v9 =	vmul.f32 v9, v7;
	_ =	sdelay $0x1  }
0x17b: {  	v8 =	vadd.f32 v9, v8;
	_ =	sdelay $0x1  }
0x17c: {  	[tilespmem:s13+$0x30] =	vst v8  }
0x17d: {  	v8 =	vld [tilespmem:s24+$0x40]  }
0x17e: {  	v11 =	vld [tilespmem:s9+$0x40]  }
.Ltmp0:
0x17f: {  	v9 =	vld [tilespmem:s2+$0x40];
	(pc) =	sbr.rel @p0 .LBB2_4-.Ltmp0, $2  }
0x180: {  	v10 =	vld [tilespmem:s12+$0x40];
	_ =	sdelay $0x2  }
0x181: {  	s13 =	sadd.s32 $0xC0, s13;
	s12 =	sadd.s32 $0xC0, s12;
	v11 =	vsub.f32 v11, v8  }
0x182: {  	_ = 	snop  }
0x183: {  	v10 =	vsub.f32 v10, v9;
	_ =	sdelay $0x1  }
0x184: {  	v11 =	vmul.f32 v11, v6;
	v10 =	vmul.f32 v10, v6;
	_ =	sdelay $0x1  }
0x185: {  	v8 =	vadd.f32 v11, v8;
	v60 =	vadd.f32 v10, v9;
	_ =	sdelay $0x1  }
0x186: {  	v9 =	vsub.f32 v60, v8;
	_ =	sdelay $0x1  }
0x187: {  	v9 =	vmul.f32 v9, v7;
	_ =	sdelay $0x1  }
0x188: {  	v8 =	vadd.f32 v9, v8;
	_ =	sdelay $0x1  }
0x189: {  	[tilespmem:s0+$0x40] =	vst v8  }
0x18a: {  	v8 =	vld [tilespmem:s25+$0x50]  }
0x18b: {  	v61 =	vld [tilespmem:s31+$0x50]  }
0x18c: {  	v62 =	vld [tilespmem:s7+$0x50]  }
0x18d: {  	v63 =	vld [tilespmem:s8+$0x50];
	_ =	sdelay $0x4  }
0x18e: {  	v9 =	vsub.f32 v61, v62;
	v11 =	vsub.f32 v63, v8;
	_ =	sdelay $0x1  }
0x18f: {  	v9 =	vmul.f32 v9, v6;
	v6 =	vmul.f32 v11, v6;
	_ =	sdelay $0x1  }
0x190: {  	v9 =	vadd.f32 v9, v62;
	v6 =	vadd.f32 v6, v8;
	_ =	sdelay $0x1  }
0x191: {  	v8 =	vsub.f32 v9, v6;
	_ =	sdelay $0x1  }
0x192: {  	v7 =	vmul.f32 v8, v7  }
0x193: {  	s2 =	smul.u32 $0x60, s30  }
0x194: {  	s29 =	sadd.s32 $0x1, s29;
	v6 =	vadd.f32 v7, v6  }
0x195: {  	p0 =	sne.s32 s29, $0x6;
	s2 =	sshrl.u32 s2, $0x3  }
.Ltmp1:
0x196: {  	s30 =	sadd.s32 s6, s2;
	s31 =	simm.s32 $0x0;
	[tilespmem:s0+$0x50] =	vst v6;
	(pc) =	sbr.rel @p0 .LBB2_3-.Ltmp1, $4  }
0x197: {  	[hbm4b:s30+s31] =	stream.linear.scatter [tilespmem:s23], [sflag:$0x2], $0x1800, $0x38;
	[tilespmem:$0x7A00] =	vst v63  }
0x198: {  	_ =	swait.ge [sflag:s10], $0x1800  }
0x199: {  	[sflag:s10] =	ssyncset.done $0x0  }
0x19a: {  	[sflag:s10] =	ssyncadd.s32 $0xFFFFE800  }
0x19b: {  	s2 =	rddreg [dreg:$0x7]  }
0x19c: {  	s2 =	sadd.s32 $0x1, s2  }
0x19d: {  	p0 =	sne.s32 s2, $0x30  }
.Ltmp2:
0x19e: {  	_ = 	snop;
	(pc) =	sbr.rel @p0 .LBB2_2-.Ltmp2, $1  }
0x19f: {  	_ =	sdelay $0x3  }
0x1a0: {  	s2 =	rddreg [dreg:$0x6]  }
0x1a1: {  	s0 =	rddreg [dreg:$0x5];
	s2 =	sadd.s32 $0x1, s2  }
0x1a2: {  	p0 =	sne.s32 s2, s0  }
.Ltmp3:
0x1a3: {  	_ = 	snop;
	(pc) =	sbr.rel @p0 .LBB2_1-.Ltmp3, $1  }
0x1a4: {  	_ =	sdelay $0x3  }
0x1a5: {  	_ =	sfence.sel $0x180000  }
0x1a6: {  	[bflag:$0x0] =	sbarrier.arrive $0xFFFF  }
0x1a7: {  	_ =	strace $0x90000047  }
0x1a8: {  	s0 =	stileid.u32;
	[bflag:$0x2] =	sbarrier.arrive $0xFFFF  }
0x1a9: {  	p0 =	sne.s32 s0, $0x0;
	s0 =	rddreg [dreg:$0x2]  }
0x1aa: {  	s0 =	sadd.s32 @!p0 $0x100000, s0  }
0x1ab: {  	[sflag:s0] =	ssyncadd.tile.s32 @!p0 $0x1;
	_ =	shalt  }
.Lfunc_end2:
_tile_overlayer_lowered:
.L_overlay_start_2:
0x1ac: {  	(tag) =	ssettag $0x2  }
0x1ad: {  	s0 =	rddreg [dreg:$0x0];
	s2 =	stileid.u32  }
0x1ae: {  	s1 =	rddreg [dreg:$0x1];
	p0 =	sne.s32 s2, $0x0  }
0x1af: {  	s3 =	rddreg [dreg:$0x2];
	[bflag:$0x3] =	sbarrier.arrive $0xFFFF;
	s2 =	simm.s32 @!p0 $0x1C02  }
0x1b0: {  	[timem:s3], [sflag:s2] =	dma.local @!p0 [hbm:s0], s1  }
0x1b1: {  	s0 =	simm.s32 @!p0 $0x2  }
0x1b2: {  	_ =	swait.ge @!p0 [sflag:s0], s1  }
0x1b3: {  	s1 =	ssub.s32 @!p0 $0x0, s1;
	[sflag:s0] =	ssyncset.done @!p0 $0x0  }
0x1b4: {  	[sflag:s0] =	ssyncadd.s32 @!p0 s1  }
0x1b5: {  	[bflag:$0x3] =	sbarrier.arrive $0xFFFF  }
0x1b6: {  	_ =	shalt  }

// kernel: sparse-core-data-format-call.cloned.1.call-start
scs
called_computation_lowered:
.L_overlay_start_0:
0x0: {  	s2 =	sld [smem:$0x3FD9]  }
0x1: {  	s3 =	sld [smem:$0x3FFE];
	_ =	sdelay $0x1  }
0x2: {  	s1 =	srdreg.scid  }
0x3: {  	s0 =	sand.u32 $0x1, s1  }
0x4: {  	s18 =	sshll.u32 s0, $0xA;
	s2 =	sadd.s32 s3, s2  }
0x5: {  	s2 =	sadd.s32 s2, s18  }
0x6: {  	[smem:$0x3FC6] =	sst s2  }
0x7: {  	_ = 	snop  }
0x8: {  	s2 =	sld [smem:$0x3FD0];
	(tm) =	ssettm $0x1  }
0x9: {  	s19 =	sld [smem:$0x3FFB];
	_ =	sdelay $0x3  }
0xa: {  	_ =	strace s19  }
0xb: {  	s3 =	sld [smem:$0x3FFC];
	_ =	sdelay $0x3  }
0xc: {  	_ =	strace s3  }
0xd: {  	s3 =	sld [smem:$0x3FFD];
	_ =	sdelay $0x3  }
0xe: {  	_ =	strace s3  }
0xf: {  	_ =	strace $0x8FFFFFFF  }
0x10: {  	s20 =	sld [smem:$0x3FDB];
	_ =	sdelay $0x1  }
0x11: {  	s4 =	simm.s32 $_scs_section_size  }
0x12: {  	s5 =	simm.s32 $_size__tile_overlayer_lowered;
	s6 =	simm.s32 $_tile_overlayer_lowered  }
0x13: {  	s23 =	simm.s32 $0x1BFF;
	s22 =	sshll.u32 s6, $0x1;
	s3 =	sadd.s32 s4, s20  }
0x14: {  	s7 =	simm.s32 $0x0;
	s21 =	sshll.u32 s5, $0x1;
	s5 =	sadd.s32 s22, s3  }
0x15: {  	[timem:s7], [sflag:s23] =	dma.local [hbm:s5], s21  }
0x16: {  	_ =	swait.ge [sflag:s23], s21  }
0x17: {  	s4 =	ssub.s32 $0x0, s21;
	[sflag:s23] =	ssyncset.done $0x0  }
0x18: {  	[sflag:s23] =	ssyncadd.s32 s4;
	_ =	sdelay $0x1  }
0x19: {  	s24 =	simm.s32 $0x1B8B  }
0x1a: {  	_ =	swait.ge [sflag:s24], $0x1  }
0x1b: {  	[sflag:s24] =	ssyncset.done $0x0  }
0x1c: {  	s26 =	simm.s32 $0x1B8E;
	s25 =	sld [smem:$0x3FFE];
	[sflag:s24] =	ssyncadd.s32 $0xFFFFFFFF  }
0x1d: {  	s27 =	simm.s32 $execute0_lowered;
	[smem:$0x3FD2] =	sst s26  }
0x1e: {  	s5 =	sshll.u32 s27, $0x1;
	_ =	strace $0x80000049;
	[dreg:$0x1] =	wrdreg $0xFFFFFFFF  }
0x1f: {  	s28 =	simm.s32 $_size_execute0_lowered;
	s3 =	sadd.s32 s3, s5;
	[dreg:$0x0] =	wrdreg $0x0  }
0x20: {  	s5 =	sshll.u32 s28, $0x1;
	[dreg:$0x2] =	wrdreg s3  }
0x21: {  	[dreg:$0x3] =	wrdreg s5  }
0x22: {  	[dreg:$0x4] =	wrdreg $0xC0  }
0x23: {  	_ =	task [dreg:s7], $0x5FFFF  }
0x24: {  	[dreg:$0x1] =	wrdreg $0xFFFFFFFF  }
0x25: {  	[dreg:$0x0] =	wrdreg $0x60  }
0x26: {  	[dreg:$0x2] =	wrdreg s25  }
0x27: {  	[dreg:$0x3] =	wrdreg s2  }
0x28: {  	[dreg:$0x4] =	wrdreg $0x9  }
0x29: {  	_ =	task.clear_ibuf [dreg:s7], $0x5FFFF;
	_ =	strace $0x90000049  }
0x2a: {  	s29 =	simm.s32 $0x9;
	_ =	strace $0x8000004B  }
0x2b: {  	_ =	swait.ge [sflag:s29], $0x1  }
0x2c: {  	[sflag:s29] =	ssyncadd.s32 $0xFFFFFFFF  }
0x2d: {  	_ =	strace $0x9000004B  }
0x2e: {  	_ =	sfence  }
0x2f: {  	s30 =	sld [smem:$0x0];
	_ =	sdelay $0x2  }
0x30: {  	s31 =	sshll.u32 s1, $0xD;
	s1 =	sshrl.u32 s1, $0x2  }
0x31: {  	s3 =	sand.u32 $0x4000, s31;
	s1 =	sadd.s32 s1, s30  }
0x32: {  	s0 =	sor.u32 s3, s0;
	s1 =	sshll.u32 s1, $0x11  }
0x33: {  	s0 =	sor.u32 s1, s0  }
0x34: {  	s0 =	sadd.s32 $0x8F2B, s0  }
0x35: {  	[sflag:s0] =	ssyncadd.remote.s32 $0x1  }
0x36: {  	_ =	sfence.sel $0xFFFF  }
0x37: {  	[dreg:$0x0] =	wrdreg $0xFFFFFFFF;
	(pc) =	sbr.abs _section_cstart, $3  }
0x38: {  	[dreg:$0x1] =	wrdreg $0xFFFFFFFF  }
0x39: {  	_ =	task.clear_ibuf [dreg:s7], $0x2FFFF;
	_ =	strace $0x9FFFFFFF  }
0x3a: {  	(tm) =	ssettm $0x7FFFFFFF  }
0x3b: {  	_ =	shalt  }
tec
execute0_lowered:
.L_overlay_start_1:
0x0: {  	(tag) =	ssettag $0x1  }
0x1: {  	s3 =	rddreg [dreg:$0x0]  }
0x2: {  	s2 =	rddreg [dreg:$0x1]  }
0x3: {  	s1 =	srdreg.scid;
	s0 =	rddreg [dreg:$0x2];
	_ =	strace $0x8000004A  }
0x4: {  	s7 =	simm.s32 $0x2;
	s15 =	simm.s32 $0x0;
	p0 =	por $0x0, $0x0  }
0x5: {  	s16 =	simm.s32 $0x0;
	s17 =	simm.s32 $0x0;
	s8 =	simm.s32 $0x0  }
0x6: {  	s10 =	simm.s32 $0x0;
	s11 =	simm.s32 $0x0;
	s12 =	simm.s32 $0x0  }
.Ltmp0:
0x7: {  	s9 =	simm.s32 $0x0;
	s4 =	sshll.u32 s1, $0x4;
	(pc) =	sbr.rel .LBB1_1-.Ltmp0, $4  }
0x8: {  	s1 =	stileid.u32;
	s3 =	sadd.s32 $0x6E4C00, s3;
	s4 =	sand.u32 $0x10, s4  }
0x9: {  	s5 =	sand.u32 $0x3, s1;
	s6 =	sor.u32 s1, s4;
	s4 =	simm.s32 $0x1  }
0xa: {  	s14 =	smov.u32 s5;
	[sflag:s4] =	ssyncpa.u1 $0x0;
	s6 =	sshrl.u32 s6, $0x2  }
0xb: {  	[sflag:s7] =	ssyncpa.u1 $0x0;
	s7 =	simm.s32 $0xC00;
	s13 =	smov.u32 s6  }
.LBB1_5:
0xc: {  	p1 =	slt.u32 s9, $0x2;
	s18 =	smov.u32 s17  }
0xd: {  	p2 =	sgt.s32 @!p1 s17, $0x3;
	s19 =	sshra.s32 @!p1 s17, $0x1F;
	s20 =	sshra.s32 @!p1 s16, $0x1F  }
0xe: {  	p2 =	por !p2, p1;
	s17 =	sand.u32 @!p1 s19, s17;
	s19 =	smov.u32 s16  }
0xf: {  	s18 =	simm.s32 @p2 $0x3;
	p2 =	sgt.s32 @!p1 s16, $0x17F;
	s16 =	sand.u32 @!p1 s20, s16  }
0x10: {  	s20 =	sshra.s32 @!p1 s15, $0x1F;
	s17 =	ssub.s32 @!p1 s18, s17;
	p3 =	por !p2, p1  }
0x11: {  	s18 =	sadd.s32 @!p1 $0xFFFFFFFD, s17;
	s19 =	simm.s32 @p3 $0x17F;
	s17 =	ssub.s32 @!p1 $0x4, s17  }
0x12: {  	p3 =	sgt.s32 @!p1 s15, $0x100;
	p2 =	sgt.s32 @!p1 s18, $0x0;
	s16 =	ssub.s32 @!p1 s19, s16  }
0x13: {  	p3 =	por !p3, p1;
	s19 =	smov.u32 s15;
	s15 =	sand.u32 @!p1 s20, s15  }
0x14: {  	s17 =	smul.u32 @!p1 $0x60, s17;
	s18 =	sadd.s32 @!p1 $0xFFFFFE81, s16;
	s19 =	simm.s32 @p3 $0x100  }
0x15: {  	s16 =	ssub.s32 @!p1 $0x180, s16;
	p3 =	sgt.s32 @!p1 s18, $0x0;
	s15 =	ssub.s32 @!p1 s19, s15  }
0x16: {  	p2 =	por !p2, p1;
	p3 =	por !p3, p1;
	s18 =	sadd.s32 @!p1 $0xFFFFFF00, s15  }
0x17: {  	s17 =	simm.s32 @!p2 $0x0;
	s16 =	simm.s32 @!p3 $0x0;
	p3 =	sgt.s32 @!p1 s18, $0x7F  }
0x18: {  	s15 =	ssub.s32 @!p1 $0x180, s15;
	p2 =	por !p3, p1;
	s16 =	smul.u32 @!p1 s16, s17  }
0x19: {  	s19 =	smov.u32 s13;
	s18 =	sadd.s32 $0x80, s12;
	s15 =	simm.s32 @!p2 $0x0  }
0x1a: {  	p2 =	sgt.s32 s18, $0x17F;
	s15 =	smul.u32 @!p1 s15, s16;
	s16 =	sadd.s32 $0x8, s13  }
0x1b: {  	s19 =	smov.u32 @p2 s16  }
0x1c: {  	s21 =	smov.u32 s14;
	s16 =	sadd.s32 $0x4, s14;
	p3 =	sgt.s32 s19, $0x17F  }
0x1d: {  	s9 =	sadd.s32 $0x1, s9;
	p0 =	por !p0, !p0;
	s21 =	smov.u32 @p3 s16  }
0x1e: {  	s20 =	simm.s32 @!p1 $0x2;
	s18 =	simm.s32 @p2 $0x0;
	p2 =	sgt.s32 s21, $0x3  }
0x1f: {  	s17 =	smov.u32 s11;
	s21 =	smov.u32 @p2 s5;
	p2 =	sne.s32 s9, $0x92  }
.Ltmp1:
0x20: {  	s11 =	smov.u32 s14;
	s15 =	sand.u32 @!p1 $0x3FFFFFE0, s15;
	(pc) =	sbr.rel @!p2 .LBB1_6-.Ltmp1, $4  }
0x21: {  	_ =	swait.ge @!p1 [sflag:s20], s15;
	s22 =	ssub.s32 @!p1 $0x0, s15;
	s15 =	smov.u32 s8  }
0x22: {  	s16 =	smov.u32 s10;
	s19 =	smov.u32 @p3 s6;
	s8 =	smov.u32 s12  }
0x23: {  	s10 =	smov.u32 s13;
	s12 =	smov.u32 s18;
	[sflag:s20] =	ssyncset.done @!p1 $0x0  }
0x24: {  	s13 =	smov.u32 s19;
	[sflag:s20] =	ssyncadd.s32 @!p1 s22;
	s14 =	smov.u32 s21  }
.LBB1_1:
0x25: {  	p1 =	sgt.u32 s9, $0x8F  }
0x26: {  	s18 =	sand.u32 @!p1 $0x1FFFFFF, s12  }
0x27: {  	s19 =	smulhi.u32 @!p1 $0xAAAAAB, s18  }
0x28: {  	s20 =	smul.u32 @!p1 $0x240000, s14  }
0x29: {  	s19 =	smul.u32 @!p1 $0x180, s19  }
0x2a: {  	s21 =	smul.u32 @!p1 $0x1800, s13  }
0x2b: {  	s20 =	sadd.s32 @!p1 s3, s20;
	s18 =	ssub.s32 @!p1 s18, s19;
	s19 =	sxor.u32 @!p1 $0xFFFFFFFF, s9  }
0x2c: {  	s20 =	sadd.s32 @!p1 s21, s20;
	s19 =	sshll.u32 @!p1 s19, $0xE;
	s18 =	sshll.u32 @!p1 s18, $0x4  }
0x2d: {  	s19 =	sand.u32 @!p1 $0x4000, s19;
	s18 =	sadd.s32 @!p1 s18, s20;
	s20 =	simm.s32 @!p1 $0x0  }
0x2e: {  	[tilespmem:s19], [sflag:$0x1] =	stream.linear.gather @!p1 [hbm4b:s18+s20], $0x4000, $0x38;
	[tilespmem:$0x10100] =	vst v63  }
0x2f: {  	p1 =	seq.s32 s9, $0x0  }
0x30: {  	p2 =	seq.s32 @!p1 s9, $0x91  }
0x31: {  	p1 =	por p1, p2  }
.Ltmp2:
0x32: {  	_ = 	snop;
	(pc) =	sbr.rel @p1 .LBB1_5-.Ltmp2, $1  }
0x33: {  	_ =	sdelay $0x3  }
0x34: {  	s18 =	simm.s32 $0x1  }
0x35: {  	_ =	swait.ge [sflag:s4], $0x4000;
	s18 =	simm.s32 @!p0 $0x0  }
0x36: {  	[sflag:s4] =	ssyncset.done $0x0;
	s19 =	sshll.u32 s18, $0xE  }
0x37: {  	[sflag:s4] =	ssyncadd.s32 $0xFFFFC000;
	s19 =	sor.u32 $0x40, s19  }
0x38: {  	s18 =	smul.u32 $0x10200, s18;
	v0 =	vld [tilespmem:s19+$0x30]  }
0x39: {  	v1 =	vld [tilespmem:s19+$0xFFFFFFD0]  }
0x3a: {  	s18 =	sshrl.u32 s18, $0x2;
	v5 =	vld [tilespmem:s19+$0xFFFFFFE0]  }
0x3b: {  	v6 =	vld [tilespmem:s19+$0xFFFFFFF0];
	s21 =	sor.u32 $0x8000, s18  }
0x3c: {  	s31 =	sand.u32 $0x1, s9;
	v4 =	vld [tilespmem:s19+$0x0];
	s20 =	sadd.s32 $0x0, s21  }
0x3d: {  	v3 =	vld [tilespmem:s19+$0x10];
	s18 =	smul.u32 $0x10200, s31;
	[tilespmem:s20+$0x3870 ss:$0x81] =	vst.msk $0xffff, v0  }
0x3e: {  	v2 =	vld [tilespmem:s19+$0x20];
	[tilespmem:s20+$0x810 ss:$0x81] =	vst.msk $0xffff, v1  }
0x3f: {  	s18 =	sshrl.u32 s18, $0x2;
	v1 =	vld [tilespmem:s19+$0xFFFFFFC0];
	[tilespmem:s20+$0x1020 ss:$0x81] =	vst.msk $0xffff, v5;
	s19 =	sadd.s32 $0x80, s19  }
0x40: {  	s22 =	simm.s32 $0x4;
	s23 =	simm.s32 $0x8;
	s18 =	sor.u32 $0x8000, s18;
	[tilespmem:s20+$0x1830 ss:$0x81] =	vst.msk $0xffff, v6;
	v0 =	vld [tilespmem:s19+$0x30]  }
.LBB1_3:
0x41: {  	p1 =	sne.s32 s23, $0x1FC;
	v5 =	vld [tilespmem:s19+$0xFFFFFFD0];
	[tilespmem:s20+$0x2040 ss:$0x81] =	vst.msk $0xffff, v4  }
0x42: {  	v6 =	vld [tilespmem:s19+$0xFFFFFFE0];
	[tilespmem:s20+$0x2850 ss:$0x81] =	vst.msk $0xffff, v3  }
0x43: {  	s24 =	sshra.s32 s22, $0x2;
	s22 =	smov.u32 s23;
	v7 =	vld [tilespmem:s19+$0xFFFFFFF0];
	[tilespmem:s20+$0x3060 ss:$0x81] =	vst.msk $0xffff, v2  }
.Ltmp3:
0x44: {  	v4 =	vld [tilespmem:s19+$0x0];
	[tilespmem:s20+$0x0 ss:$0x81] =	vst.msk $0xffff, v1;
	s20 =	sadd.s32 s24, s21;
	(pc) =	sbr.rel @p1 .LBB1_3-.Ltmp3, $4  }
0x45: {  	v3 =	vld [tilespmem:s19+$0x10];
	[tilespmem:s20+$0x3870 ss:$0x81] =	vst.msk $0xffff, v0  }
0x46: {  	[tilespmem:s20+$0x810 ss:$0x81] =	vst.msk $0xffff, v5;
	v2 =	vld [tilespmem:s19+$0x20]  }
0x47: {  	v1 =	vld [tilespmem:s19+$0xFFFFFFC0];
	[tilespmem:s20+$0x1020 ss:$0x81] =	vst.msk $0xffff, v6;
	s19 =	sadd.s32 $0x80, s19  }
0x48: {  	s23 =	sadd.s32 $0x4, s23;
	v0 =	vld [tilespmem:s19+$0x30];
	[tilespmem:s20+$0x1830 ss:$0x81] =	vst.msk $0xffff, v7  }
0x49: {  	s23 =	sshll.u32 s8, $0x3  }
0x4a: {  	s24 =	sand.u32 $0x7F, s8;
	s22 =	sshra.s32 s22, $0x2;
	s23 =	sand.u32 $0xFFFFFC00, s23  }
0x4b: {  	p1 =	sgt.s32 s11, $0x3;
	s24 =	sor.u32 s24, s23;
	s23 =	smulhi.u32 $0xAAAAAAAB, s23  }
0x4c: {  	s26 =	sshra.s32 s11, $0x1F;
	s28 =	sshra.s32 s10, $0x1F;
	s25 =	smulhi.u32 $0xAAAAAAAB, s24  }
0x4d: {  	s21 =	sadd.s32 s22, s21;
	s26 =	sand.u32 s26, s11;
	s28 =	sand.u32 s28, s10  }
0x4e: {  	[tilespmem:s20+$0x2040 ss:$0x81] =	vst.msk $0xffff, v4;
	s23 =	sshrl.u32 s23, $0x8;
	s30 =	sshrl.u32 s25, $0x8;
	s25 =	smov.u32 s11  }
0x4f: {  	[tilespmem:s20+$0x2850 ss:$0x81] =	vst.msk $0xffff, v3;
	s27 =	smulhi.u32 $0x2AAAAAB, s23;
	s25 =	simm.s32 @!p1 $0x3;
	p1 =	sgt.s32 s10, $0x17F  }
0x50: {  	[tilespmem:s20+$0x3060 ss:$0x81] =	vst.msk $0xffff, v2;
	s22 =	smul.u32 $0x180, s30;
	s25 =	ssub.s32 s25, s26;
	s26 =	smov.u32 s10  }
0x51: {  	[tilespmem:s20+$0x0 ss:$0x81] =	vst.msk $0xffff, v1;
	s20 =	smov.u32 s8;
	s27 =	smul.u32 $0x60, s27;
	s26 =	simm.s32 @!p1 $0x17F  }
0x52: {  	v5 =	vld [tilespmem:s19+$0xFFFFFFD0];
	s31 =	sadd.s32 $0xFFFFFFFD, s25;
	s25 =	ssub.s32 $0x4, s25;
	s26 =	ssub.s32 s26, s28  }
0x53: {  	v58 =	vld [tilespmem:s19+$0xFFFFFFE0];
	s30 =	sshra.s32 s8, $0x1F;
	s25 =	smul.u32 $0x60, s25;
	s29 =	sadd.s32 $0xFFFFFE81, s26  }
0x54: {  	v59 =	vld [tilespmem:s19+$0xFFFFFFF0];
	p1 =	sgt.s32 s31, $0x0;
	s26 =	ssub.s32 $0x180, s26;
	p2 =	sgt.s32 s29, $0x0  }
0x55: {  	v60 =	vld [tilespmem:s19+$0x0];
	s25 =	simm.s32 @p1 $0x0;
	s26 =	simm.s32 @p2 $0x0;
	p2 =	sgt.s32 s8, $0x100  }
0x56: {  	v61 =	vld [tilespmem:s19+$0x10];
	[tilespmem:s21+$0x3870 ss:$0x81] =	vst.msk $0xffff, v0;
	s28 =	sand.u32 s30, s8;
	s20 =	simm.s32 @!p2 $0x100;
	s31 =	smul.u32 s26, s25  }
0x57: {  	v62 =	vld [tilespmem:s19+$0x20];
	[tilespmem:s21+$0x810 ss:$0x81] =	vst.msk $0xffff, v5;
	s25 =	ssub.s32 s23, s27;
	s27 =	smul.u32 $0x1B0000, s11;
	s20 =	ssub.s32 s20, s28  }
0x58: {  	v63 =	vld [tilespmem:s19+$0xFFFFFFC0];
	[tilespmem:s21+$0x1020 ss:$0x81] =	vst.msk $0xffff, v58;
	s22 =	ssub.s32 s24, s22;
	s28 =	smul.u32 $0x1200, s10;
	s26 =	sadd.s32 $0xFFFFFF00, s20  }
0x59: {  	[tilespmem:s21+$0x1830 ss:$0x81] =	vst.msk $0xffff, v59;
	s19 =	smul.u32 $0x30, s25;
	s20 =	ssub.s32 $0x180, s20;
	p1 =	sgt.s32 s26, $0x7F  }
.Ltmp4:
0x5a: {  	[tilespmem:s21+$0x2040 ss:$0x81] =	vst.msk $0xffff, v60;
	s25 =	sadd.s32 s2, s27;
	s20 =	simm.s32 @p1 $0x0;
	(pc) =	sbr.rel .LBB1_5-.Ltmp4, $4  }
0x5b: {  	[tilespmem:s21+$0x2850 ss:$0x81] =	vst.msk $0xffff, v61;
	s29 =	sand.u32 $0x7, s22;
	s23 =	sadd.s32 s28, s25;
	s20 =	smul.u32 s20, s31  }
0x5c: {  	[tilespmem:s21+$0x3060 ss:$0x81] =	vst.msk $0xffff, v62;
	s22 =	sshrl.u32 s22, $0x3;
	s30 =	sshll.u32 s29, $0x12;
	s19 =	sadd.s32 s19, s23  }
0x5d: {  	[tilespmem:s21+$0x0 ss:$0x81] =	vst.msk $0xffff, v63;
	s19 =	sadd.s32 s22, s19;
	s31 =	sor.u32 $0x400, s30;
	s20 =	sand.u32 $0x3FFFFFE0, s20  }
0x5e: {  	[hbm4b:s19+s31] =	stream.strided.scatter [tilespmem:s18], [sflag:$0x2], s20, s7, s31, $0x20;
	[tilespmem:$0x10100] =	vst v63  }
.LBB1_6:
0x5f: {  	_ =	sfence.sel $0x180000  }
0x60: {  	s2 =	simm.s32 $0x1;
	[bflag:$0x0] =	sbarrier.arrive $0xFFFF  }
0x61: {  	s31 =	simm.s32 $0x2;
	[sflag:s2] =	ssyncpa.u1 $0x1  }
0x62: {  	[sflag:s31] =	ssyncpa.u1 $0x1  }
0x63: {  	p0 =	sne.s32 s1, $0x0;
	_ =	strace $0x9000004A  }
0x64: {  	s0 =	sadd.s32 @!p0 $0x100000, s0;
	[bflag:$0x2] =	sbarrier.arrive $0xFFFF  }
0x65: {  	[sflag:s0] =	ssyncadd.tile.s32 @!p0 $0x1;
	_ =	shalt  }
.Lfunc_end1:
_tile_overlayer_lowered:
.L_overlay_start_2:
0x66: {  	(tag) =	ssettag $0x2  }
0x67: {  	s0 =	rddreg [dreg:$0x0];
	s2 =	stileid.u32  }
0x68: {  	s1 =	rddreg [dreg:$0x1];
	p0 =	sne.s32 s2, $0x0  }
0x69: {  	s3 =	rddreg [dreg:$0x2];
	[bflag:$0x3] =	sbarrier.arrive $0xFFFF;
	s2 =	simm.s32 @!p0 $0x1C01  }
0x6a: {  	[timem:s3], [sflag:s2] =	dma.local @!p0 [hbm:s0], s1  }
0x6b: {  	s0 =	simm.s32 @!p0 $0x1  }
0x6c: {  	_ =	swait.ge @!p0 [sflag:s0], s1  }
0x6d: {  	s1 =	ssub.s32 @!p0 $0x0, s1;
	[sflag:s0] =	ssyncset.done @!p0 $0x0  }
0x6e: {  	[sflag:s0] =	ssyncadd.s32 @!p0 s1  }
0x6f: {  	[bflag:$0x3] =	sbarrier.arrive $0xFFFF  }
0x70: {  	_ =	shalt  }

</sc_bundles>
